<compile_context>
chip_gen: v7x
topology: tpu7x:2x2x1
jax: 0.10.2.dev20260603
libtpu: 0.0.44.dev20260713+nightly
codegen_flags: <defaults>
</compile_context>

<pallas_src>
import functools

import jax
import jax.numpy as jnp
from jax import lax
from jax.experimental import pallas as pl
from jax.experimental.pallas import tpu as pltpu
from jax.experimental.pallas import tpu_sc as plsc

NUM_SERVICES = 100000
ENC = 512
EMB = 64
BATCH = 16384

NC = 2
NS = 16
NW = NC * NS
B_PER_W = BATCH // NW
CHUNK = 64
N_CHUNKS = B_PER_W // CHUNK
NBUF = 3


def _make_sc_gather():
    mesh = plsc.VectorSubcoreMesh(core_axis_name="c", subcore_axis_name="s")

    @functools.partial(
        pl.kernel,
        mesh=mesh,
        out_type=jax.ShapeDtypeStruct((BATCH, ENC), jnp.float32),
        scratch_types=[
            pltpu.VMEM((B_PER_W,), jnp.int32),
            pltpu.VMEM((CHUNK, ENC), jnp.float32),
            pltpu.VMEM((CHUNK, ENC), jnp.float32),
            pltpu.VMEM((CHUNK, ENC), jnp.float32),
            pltpu.SemaphoreType.DMA((NBUF,)),
            pltpu.SemaphoreType.DMA((NBUF,)),
        ],
    )
    def gather_k(idx_hbm, table_hbm, out_hbm,
                 idx_v, rows0, rows1, rows2, gsem, osem):
        wid = lax.axis_index("s") * NC + lax.axis_index("c")
        base = wid * B_PER_W
        pltpu.sync_copy(idx_hbm.at[pl.ds(base, B_PER_W)], idx_v)
        rows = (rows0, rows1, rows2)

        def start_gather(ci, b):
            pltpu.async_copy(
                table_hbm.at[idx_v.at[pl.ds(ci * CHUNK, CHUNK)]],
                rows[b], gsem.at[b])

        def wait_gather(b):
            pltpu.make_async_copy(
                table_hbm.at[pl.ds(0, CHUNK)], rows[b], gsem.at[b]).wait()

        def wait_out(b):
            pltpu.make_async_copy(
                table_hbm.at[pl.ds(0, CHUNK)], rows[b], osem.at[b]).wait()

        for j in range(NBUF):
            start_gather(j, j)
        for ci in range(N_CHUNKS):
            b = ci % NBUF
            wait_gather(b)
            pltpu.async_copy(
                rows[b], out_hbm.at[pl.ds(base + ci * CHUNK, CHUNK)],
                osem.at[b])
            if ci + NBUF < N_CHUNKS:
                wait_out(b)
                start_gather(ci + NBUF, b)
        for ci in range(N_CHUNKS - NBUF, N_CHUNKS):
            wait_out(ci % NBUF)

    return gather_k


_sc_gather = _make_sc_gather()


def _mm_body(s_ref, e_ref, o_ref):
    o_ref[...] = jnp.dot(s_ref[...], e_ref[...], preferred_element_type=jnp.float32)


def kernel(data, service_matrix, embedding_matrix):
    gathered = _sc_gather(data, service_matrix)
    out = pl.pallas_call(
        _mm_body,
        grid=(8,),
        in_specs=[
            pl.BlockSpec((BATCH // 8, ENC), lambda i: (i, 0)),
            pl.BlockSpec((ENC, EMB), lambda i: (0, 0)),
        ],
        out_specs=pl.BlockSpec((BATCH // 8, EMB), lambda i: (i, 0)),
        out_shape=jax.ShapeDtypeStruct((BATCH, EMB), jnp.float32),
    )(gathered, embedding_matrix)
    return out

# --- scband reference (transcript-rebuilt; emitter-appended) ---
"""Pipeline reference for scband-service-25993142076017 (READ-ONLY COPY).

The authoritative reference and input builder live on the scoring server;
editing this copy changes nothing except your own understanding.
"""

import jax, jax.numpy as jnp
import numpy as np

NUM_SERVICES = 100000
N_FIELDS = 4
FIELD_CARD = 128
ENC = N_FIELDS * FIELD_CARD  # service_encode_elements = 512
EMB = 64  # embedding_size
BATCH = 16384


def setup_inputs(seed: int = 0) -> dict:
    key = jax.random.key(seed)
    k1, k2, k3 = jax.random.split(key, 3)
    # Simulate the OneHotEncoder-produced service matrix: 4 categorical fields,
    # each one-hot within its own 128-wide segment, concatenated -> [N, 512].
    field_idx = jax.random.randint(k1, (NUM_SERVICES, N_FIELDS), 0, FIELD_CARD)
    service_matrix = jax.nn.one_hot(field_idx, FIELD_CARD, dtype=jnp.float32).reshape(NUM_SERVICES, ENC)
    # nn.Parameter(torch.randn((service_encode_elements, embedding_size)))
    embedding_matrix = jax.random.normal(k2, (ENC, EMB), dtype=jnp.float32)
    data = jax.random.randint(k3, (BATCH,), 0, NUM_SERVICES, dtype=jnp.int32)
    return {"data": data, "service_matrix": service_matrix, "embedding_matrix": embedding_matrix}


def reference(data, service_matrix, embedding_matrix):
    # services = self.service_matrix.index_select(0, data)
    services = jnp.take(service_matrix, data, axis=0)
    # return services.mm(self.embedding_matrix)
    return services @ embedding_matrix

if __name__ == "__main__":
    import jax
    _d = setup_inputs()
    print(jax.jit(kernel)(*tuple(_d.values())))

</pallas_src>

<mosaic_0001>
#map = affine_map<(d0, d1) -> (0)>
#map1 = affine_map<(d0, d1) -> (0, 0)>
module attributes {stable_mosaic.version = 14 : i64} {
  func.func @gather_k(%arg0: i32, %arg1: i32, %arg2: memref<16384xi32, #tpu.memory_space<hbm>>, %arg3: memref<100000x512xf32, #tpu.memory_space<hbm>>, %arg4: memref<16384x512xf32, #tpu.memory_space<hbm>>, %arg5: memref<512xi32, #tpu.memory_space<vmem>>, %arg6: memref<64x512xf32, #tpu.memory_space<vmem>>, %arg7: memref<64x512xf32, #tpu.memory_space<vmem>>, %arg8: memref<64x512xf32, #tpu.memory_space<vmem>>, %arg9: memref<3x!tpu.dma_semaphore, #tpu.memory_space<semaphore_mem>>, %arg10: memref<3x!tpu.dma_semaphore, #tpu.memory_space<semaphore_mem>>) attributes {dimension_semantics = [#tpu.dimension_semantics<core_parallel>, #tpu.dimension_semantics<subcore_parallel>], iteration_bounds = array<i64: 2, 16>, scalar_prefetch = 0 : i64, scratch_operands = 6 : i64, tpu.core_type = #tpu.core_type<sc_vector_subcore>, window_params = [{transform_indices = #map}, {transform_indices = #map1}, {transform_indices = #map1}]} {
    %mul3A = arith.constant 2 : i32
    %mul3A_0 = arith.muli %arg1, %mul3A : i32
    %add3A = arith.addi %mul3A_0, %arg0 : i32
    %mul3A_1 = arith.constant 512 : i32
    %mul3A_2 = arith.muli %add3A, %mul3A_1 : i32
    "tpu.region"() ({
      %run_scoped3A = tpu.sem_alloc : memref<!tpu.dma_semaphore, #tpu.memory_space<semaphore_mem>>
      %dma_start3A_281 = tpu.memref_slice %arg2[%mul3A_2] : memref<16384xi32, #tpu.memory_space<hbm>> -> memref<512xi32, #tpu.memory_space<hbm>>
      %dma_start3A_282 = tpu.memref_slice %arg2[%mul3A_2] : memref<16384xi32, #tpu.memory_space<hbm>> -> memref<512xi32, #tpu.memory_space<hbm>>
      tpu.enqueue_dma source(%dma_start3A_282 : memref<512xi32, #tpu.memory_space<hbm>>) target(%arg5 : memref<512xi32, #tpu.memory_space<vmem>>) target_semaphore(%run_scoped3A : memref<!tpu.dma_semaphore, #tpu.memory_space<semaphore_mem>>)
      %dma_wait3A_283 = tpu.memref_slice %arg2[%mul3A_2] : memref<16384xi32, #tpu.memory_space<hbm>> -> memref<512xi32, #tpu.memory_space<hbm>>
      %dma_wait3A_284 = tpu.memref_slice %arg2[%mul3A_2] : memref<16384xi32, #tpu.memory_space<hbm>> -> memref<512xi32, #tpu.memory_space<hbm>>
      tpu.wait_dma2 semaphore(%run_scoped3A : memref<!tpu.dma_semaphore, #tpu.memory_space<semaphore_mem>>) src(%dma_wait3A_284 : memref<512xi32, #tpu.memory_space<hbm>>) dst(%arg5 : memref<512xi32, #tpu.memory_space<vmem>>)
      tpu.yield
    }) : () -> ()
    %dma_start3A = arith.constant 0 : i32
    %dma_start3A_3 = arith.constant 0 : i32
    %dma_start3A_4 = tpu.memref_slice %arg5[%dma_start3A_3] : memref<512xi32, #tpu.memory_space<vmem>> -> memref<64xi32, #tpu.memory_space<vmem>>
    %dma_start3A_5 = arith.constant 0 : i32
    %dma_start3A_6 = arith.constant 0 : i32
    %dma_start3A_7 = tpu.memref_slice %arg3[%dma_start3A_5, %dma_start3A_6] : memref<100000x512xf32, #tpu.memory_space<hbm>> -> memref<100000x512xf32, #tpu.memory_space<hbm>>
    %dma_start3A_8 = tpu.memref_slice %arg9[%dma_start3A] : memref<3x!tpu.dma_semaphore, #tpu.memory_space<semaphore_mem>> -> memref<1x!tpu.dma_semaphore, #tpu.memory_space<semaphore_mem>>
    %dma_start3A_9 = tpu.memref_squeeze %dma_start3A_8 : memref<1x!tpu.dma_semaphore, #tpu.memory_space<semaphore_mem>> -> memref<!tpu.dma_semaphore, #tpu.memory_space<semaphore_mem>>
    tpu.enqueue_indirect_dma source(%dma_start3A_7 : memref<100000x512xf32, #tpu.memory_space<hbm>>) target(%arg6 : memref<64x512xf32, #tpu.memory_space<vmem>>) offsets(%dma_start3A_4 : memref<64xi32, #tpu.memory_space<vmem>>) semaphore(%dma_start3A_9 : memref<!tpu.dma_semaphore, #tpu.memory_space<semaphore_mem>>)
    %dma_start3A_10 = arith.constant 1 : i32
    %dma_start3A_11 = arith.constant 64 : i32
    %dma_start3A_12 = tpu.memref_slice %arg5[%dma_start3A_11] : memref<512xi32, #tpu.memory_space<vmem>> -> memref<64xi32, #tpu.memory_space<vmem>>
    %dma_start3A_13 = arith.constant 0 : i32
    %dma_start3A_14 = arith.constant 0 : i32
    %dma_start3A_15 = tpu.memref_slice %arg3[%dma_start3A_13, %dma_start3A_14] : memref<100000x512xf32, #tpu.memory_space<hbm>> -> memref<100000x512xf32, #tpu.memory_space<hbm>>
    %dma_start3A_16 = tpu.memref_slice %arg9[%dma_start3A_10] : memref<3x!tpu.dma_semaphore, #tpu.memory_space<semaphore_mem>> -> memref<1x!tpu.dma_semaphore, #tpu.memory_space<semaphore_mem>>
    %dma_start3A_17 = tpu.memref_squeeze %dma_start3A_16 : memref<1x!tpu.dma_semaphore, #tpu.memory_space<semaphore_mem>> -> memref<!tpu.dma_semaphore, #tpu.memory_space<semaphore_mem>>
    tpu.enqueue_indirect_dma source(%dma_start3A_15 : memref<100000x512xf32, #tpu.memory_space<hbm>>) target(%arg7 : memref<64x512xf32, #tpu.memory_space<vmem>>) offsets(%dma_start3A_12 : memref<64xi32, #tpu.memory_space<vmem>>) semaphore(%dma_start3A_17 : memref<!tpu.dma_semaphore, #tpu.memory_space<semaphore_mem>>)
    %dma_start3A_18 = arith.constant 2 : i32
    %dma_start3A_19 = arith.constant 128 : i32
    %dma_start3A_20 = tpu.memref_slice %arg5[%dma_start3A_19] : memref<512xi32, #tpu.memory_space<vmem>> -> memref<64xi32, #tpu.memory_space<vmem>>
    %dma_start3A_21 = arith.constant 0 : i32
    %dma_start3A_22 = arith.constant 0 : i32
    %dma_start3A_23 = tpu.memref_slice %arg3[%dma_start3A_21, %dma_start3A_22] : memref<100000x512xf32, #tpu.memory_space<hbm>> -> memref<100000x512xf32, #tpu.memory_space<hbm>>
    %dma_start3A_24 = tpu.memref_slice %arg9[%dma_start3A_18] : memref<3x!tpu.dma_semaphore, #tpu.memory_space<semaphore_mem>> -> memref<1x!tpu.dma_semaphore, #tpu.memory_space<semaphore_mem>>
    %dma_start3A_25 = tpu.memref_squeeze %dma_start3A_24 : memref<1x!tpu.dma_semaphore, #tpu.memory_space<semaphore_mem>> -> memref<!tpu.dma_semaphore, #tpu.memory_space<semaphore_mem>>
    tpu.enqueue_indirect_dma source(%dma_start3A_23 : memref<100000x512xf32, #tpu.memory_space<hbm>>) target(%arg8 : memref<64x512xf32, #tpu.memory_space<vmem>>) offsets(%dma_start3A_20 : memref<64xi32, #tpu.memory_space<vmem>>) semaphore(%dma_start3A_25 : memref<!tpu.dma_semaphore, #tpu.memory_space<semaphore_mem>>)
    %dma_wait3A = arith.constant 0 : i32
    %dma_wait3A_26 = arith.constant 0 : i32
    %dma_wait3A_27 = arith.constant 0 : i32
    %dma_wait3A_28 = tpu.memref_slice %arg3[%dma_wait3A_26, %dma_wait3A_27] : memref<100000x512xf32, #tpu.memory_space<hbm>> -> memref<64x512xf32, #tpu.memory_space<hbm>>
    %dma_wait3A_29 = tpu.memref_slice %arg9[%dma_wait3A] : memref<3x!tpu.dma_semaphore, #tpu.memory_space<semaphore_mem>> -> memref<1x!tpu.dma_semaphore, #tpu.memory_space<semaphore_mem>>
    %dma_wait3A_30 = tpu.memref_squeeze %dma_wait3A_29 : memref<1x!tpu.dma_semaphore, #tpu.memory_space<semaphore_mem>> -> memref<!tpu.dma_semaphore, #tpu.memory_space<semaphore_mem>>
    %dma_wait3A_31 = arith.constant 0 : i32
    %dma_wait3A_32 = arith.constant 0 : i32
    %dma_wait3A_33 = tpu.memref_slice %arg3[%dma_wait3A_31, %dma_wait3A_32] : memref<100000x512xf32, #tpu.memory_space<hbm>> -> memref<64x512xf32, #tpu.memory_space<hbm>>
    tpu.wait_dma2 semaphore(%dma_wait3A_30 : memref<!tpu.dma_semaphore, #tpu.memory_space<semaphore_mem>>) src(%dma_wait3A_33 : memref<64x512xf32, #tpu.memory_space<hbm>>) dst(%arg6 : memref<64x512xf32, #tpu.memory_space<vmem>>)
    %add3A_34 = arith.constant 0 : i32
    %add3A_35 = arith.addi %mul3A_2, %add3A_34 : i32
    %dma_start3A_36 = arith.constant 0 : i32
    %dma_start3A_37 = arith.constant 0 : i32
    %dma_start3A_38 = tpu.memref_slice %arg4[%add3A_35, %dma_start3A_37] : memref<16384x512xf32, #tpu.memory_space<hbm>> -> memref<64x512xf32, #tpu.memory_space<hbm>>
    %dma_start3A_39 = tpu.memref_slice %arg10[%dma_start3A_36] : memref<3x!tpu.dma_semaphore, #tpu.memory_space<semaphore_mem>> -> memref<1x!tpu.dma_semaphore, #tpu.memory_space<semaphore_mem>>
    %dma_start3A_40 = tpu.memref_squeeze %dma_start3A_39 : memref<1x!tpu.dma_semaphore, #tpu.memory_space<semaphore_mem>> -> memref<!tpu.dma_semaphore, #tpu.memory_space<semaphore_mem>>
    %dma_start3A_41 = arith.constant 0 : i32
    %dma_start3A_42 = tpu.memref_slice %arg4[%add3A_35, %dma_start3A_41] : memref<16384x512xf32, #tpu.memory_space<hbm>> -> memref<64x512xf32, #tpu.memory_space<hbm>>
    tpu.enqueue_dma source(%arg6 : memref<64x512xf32, #tpu.memory_space<vmem>>) target(%dma_start3A_42 : memref<64x512xf32, #tpu.memory_space<hbm>>) target_semaphore(%dma_start3A_40 : memref<!tpu.dma_semaphore, #tpu.memory_space<semaphore_mem>>)
    %dma_wait3A_43 = arith.constant 0 : i32
    %dma_wait3A_44 = arith.constant 0 : i32
    %dma_wait3A_45 = arith.constant 0 : i32
    %dma_wait3A_46 = tpu.memref_slice %arg3[%dma_wait3A_44, %dma_wait3A_45] : memref<100000x512xf32, #tpu.memory_space<hbm>> -> memref<64x512xf32, #tpu.memory_space<hbm>>
    %dma_wait3A_47 = tpu.memref_slice %arg10[%dma_wait3A_43] : memref<3x!tpu.dma_semaphore, #tpu.memory_space<semaphore_mem>> -> memref<1x!tpu.dma_semaphore, #tpu.memory_space<semaphore_mem>>
    %dma_wait3A_48 = tpu.memref_squeeze %dma_wait3A_47 : memref<1x!tpu.dma_semaphore, #tpu.memory_space<semaphore_mem>> -> memref<!tpu.dma_semaphore, #tpu.memory_space<semaphore_mem>>
    %dma_wait3A_49 = arith.constant 0 : i32
    %dma_wait3A_50 = arith.constant 0 : i32
    %dma_wait3A_51 = tpu.memref_slice %arg3[%dma_wait3A_49, %dma_wait3A_50] : memref<100000x512xf32, #tpu.memory_space<hbm>> -> memref<64x512xf32, #tpu.memory_space<hbm>>
    tpu.wait_dma2 semaphore(%dma_wait3A_48 : memref<!tpu.dma_semaphore, #tpu.memory_space<semaphore_mem>>) src(%dma_wait3A_51 : memref<64x512xf32, #tpu.memory_space<hbm>>) dst(%arg6 : memref<64x512xf32, #tpu.memory_space<vmem>>)
    %dma_start3A_52 = arith.constant 0 : i32
    %dma_start3A_53 = arith.constant 192 : i32
    %dma_start3A_54 = tpu.memref_slice %arg5[%dma_start3A_53] : memref<512xi32, #tpu.memory_space<vmem>> -> memref<64xi32, #tpu.memory_space<vmem>>
    %dma_start3A_55 = arith.constant 0 : i32
    %dma_start3A_56 = arith.constant 0 : i32
    %dma_start3A_57 = tpu.memref_slice %arg3[%dma_start3A_55, %dma_start3A_56] : memref<100000x512xf32, #tpu.memory_space<hbm>> -> memref<100000x512xf32, #tpu.memory_space<hbm>>
    %dma_start3A_58 = tpu.memref_slice %arg9[%dma_start3A_52] : memref<3x!tpu.dma_semaphore, #tpu.memory_space<semaphore_mem>> -> memref<1x!tpu.dma_semaphore, #tpu.memory_space<semaphore_mem>>
    %dma_start3A_59 = tpu.memref_squeeze %dma_start3A_58 : memref<1x!tpu.dma_semaphore, #tpu.memory_space<semaphore_mem>> -> memref<!tpu.dma_semaphore, #tpu.memory_space<semaphore_mem>>
    tpu.enqueue_indirect_dma source(%dma_start3A_57 : memref<100000x512xf32, #tpu.memory_space<hbm>>) target(%arg6 : memref<64x512xf32, #tpu.memory_space<vmem>>) offsets(%dma_start3A_54 : memref<64xi32, #tpu.memory_space<vmem>>) semaphore(%dma_start3A_59 : memref<!tpu.dma_semaphore, #tpu.memory_space<semaphore_mem>>)
    %dma_wait3A_60 = arith.constant 1 : i32
    %dma_wait3A_61 = arith.constant 0 : i32
    %dma_wait3A_62 = arith.constant 0 : i32
    %dma_wait3A_63 = tpu.memref_slice %arg3[%dma_wait3A_61, %dma_wait3A_62] : memref<100000x512xf32, #tpu.memory_space<hbm>> -> memref<64x512xf32, #tpu.memory_space<hbm>>
    %dma_wait3A_64 = tpu.memref_slice %arg9[%dma_wait3A_60] : memref<3x!tpu.dma_semaphore, #tpu.memory_space<semaphore_mem>> -> memref<1x!tpu.dma_semaphore, #tpu.memory_space<semaphore_mem>>
    %dma_wait3A_65 = tpu.memref_squeeze %dma_wait3A_64 : memref<1x!tpu.dma_semaphore, #tpu.memory_space<semaphore_mem>> -> memref<!tpu.dma_semaphore, #tpu.memory_space<semaphore_mem>>
    %dma_wait3A_66 = arith.constant 0 : i32
    %dma_wait3A_67 = arith.constant 0 : i32
    %dma_wait3A_68 = tpu.memref_slice %arg3[%dma_wait3A_66, %dma_wait3A_67] : memref<100000x512xf32, #tpu.memory_space<hbm>> -> memref<64x512xf32, #tpu.memory_space<hbm>>
    tpu.wait_dma2 semaphore(%dma_wait3A_65 : memref<!tpu.dma_semaphore, #tpu.memory_space<semaphore_mem>>) src(%dma_wait3A_68 : memref<64x512xf32, #tpu.memory_space<hbm>>) dst(%arg7 : memref<64x512xf32, #tpu.memory_space<vmem>>)
    %add3A_69 = arith.constant 64 : i32
    %add3A_70 = arith.addi %mul3A_2, %add3A_69 : i32
    %dma_start3A_71 = arith.constant 1 : i32
    %dma_start3A_72 = arith.constant 0 : i32
    %dma_start3A_73 = tpu.memref_slice %arg4[%add3A_70, %dma_start3A_72] : memref<16384x512xf32, #tpu.memory_space<hbm>> -> memref<64x512xf32, #tpu.memory_space<hbm>>
    %dma_start3A_74 = tpu.memref_slice %arg10[%dma_start3A_71] : memref<3x!tpu.dma_semaphore, #tpu.memory_space<semaphore_mem>> -> memref<1x!tpu.dma_semaphore, #tpu.memory_space<semaphore_mem>>
    %dma_start3A_75 = tpu.memref_squeeze %dma_start3A_74 : memref<1x!tpu.dma_semaphore, #tpu.memory_space<semaphore_mem>> -> memref<!tpu.dma_semaphore, #tpu.memory_space<semaphore_mem>>
    %dma_start3A_76 = arith.constant 0 : i32
    %dma_start3A_77 = tpu.memref_slice %arg4[%add3A_70, %dma_start3A_76] : memref<16384x512xf32, #tpu.memory_space<hbm>> -> memref<64x512xf32, #tpu.memory_space<hbm>>
    tpu.enqueue_dma source(%arg7 : memref<64x512xf32, #tpu.memory_space<vmem>>) target(%dma_start3A_77 : memref<64x512xf32, #tpu.memory_space<hbm>>) target_semaphore(%dma_start3A_75 : memref<!tpu.dma_semaphore, #tpu.memory_space<semaphore_mem>>)
    %dma_wait3A_78 = arith.constant 1 : i32
    %dma_wait3A_79 = arith.constant 0 : i32
    %dma_wait3A_80 = arith.constant 0 : i32
    %dma_wait3A_81 = tpu.memref_slice %arg3[%dma_wait3A_79, %dma_wait3A_80] : memref<100000x512xf32, #tpu.memory_space<hbm>> -> memref<64x512xf32, #tpu.memory_space<hbm>>
    %dma_wait3A_82 = tpu.memref_slice %arg10[%dma_wait3A_78] : memref<3x!tpu.dma_semaphore, #tpu.memory_space<semaphore_mem>> -> memref<1x!tpu.dma_semaphore, #tpu.memory_space<semaphore_mem>>
    %dma_wait3A_83 = tpu.memref_squeeze %dma_wait3A_82 : memref<1x!tpu.dma_semaphore, #tpu.memory_space<semaphore_mem>> -> memref<!tpu.dma_semaphore, #tpu.memory_space<semaphore_mem>>
    %dma_wait3A_84 = arith.constant 0 : i32
    %dma_wait3A_85 = arith.constant 0 : i32
    %dma_wait3A_86 = tpu.memref_slice %arg3[%dma_wait3A_84, %dma_wait3A_85] : memref<100000x512xf32, #tpu.memory_space<hbm>> -> memref<64x512xf32, #tpu.memory_space<hbm>>
    tpu.wait_dma2 semaphore(%dma_wait3A_83 : memref<!tpu.dma_semaphore, #tpu.memory_space<semaphore_mem>>) src(%dma_wait3A_86 : memref<64x512xf32, #tpu.memory_space<hbm>>) dst(%arg7 : memref<64x512xf32, #tpu.memory_space<vmem>>)
    %dma_start3A_87 = arith.constant 1 : i32
    %dma_start3A_88 = arith.constant 256 : i32
    %dma_start3A_89 = tpu.memref_slice %arg5[%dma_start3A_88] : memref<512xi32, #tpu.memory_space<vmem>> -> memref<64xi32, #tpu.memory_space<vmem>>
    %dma_start3A_90 = arith.constant 0 : i32
    %dma_start3A_91 = arith.constant 0 : i32
    %dma_start3A_92 = tpu.memref_slice %arg3[%dma_start3A_90, %dma_start3A_91] : memref<100000x512xf32, #tpu.memory_space<hbm>> -> memref<100000x512xf32, #tpu.memory_space<hbm>>
    %dma_start3A_93 = tpu.memref_slice %arg9[%dma_start3A_87] : memref<3x!tpu.dma_semaphore, #tpu.memory_space<semaphore_mem>> -> memref<1x!tpu.dma_semaphore, #tpu.memory_space<semaphore_mem>>
    %dma_start3A_94 = tpu.memref_squeeze %dma_start3A_93 : memref<1x!tpu.dma_semaphore, #tpu.memory_space<semaphore_mem>> -> memref<!tpu.dma_semaphore, #tpu.memory_space<semaphore_mem>>
    tpu.enqueue_indirect_dma source(%dma_start3A_92 : memref<100000x512xf32, #tpu.memory_space<hbm>>) target(%arg7 : memref<64x512xf32, #tpu.memory_space<vmem>>) offsets(%dma_start3A_89 : memref<64xi32, #tpu.memory_space<vmem>>) semaphore(%dma_start3A_94 : memref<!tpu.dma_semaphore, #tpu.memory_space<semaphore_mem>>)
    %dma_wait3A_95 = arith.constant 2 : i32
    %dma_wait3A_96 = arith.constant 0 : i32
    %dma_wait3A_97 = arith.constant 0 : i32
    %dma_wait3A_98 = tpu.memref_slice %arg3[%dma_wait3A_96, %dma_wait3A_97] : memref<100000x512xf32, #tpu.memory_space<hbm>> -> memref<64x512xf32, #tpu.memory_space<hbm>>
    %dma_wait3A_99 = tpu.memref_slice %arg9[%dma_wait3A_95] : memref<3x!tpu.dma_semaphore, #tpu.memory_space<semaphore_mem>> -> memref<1x!tpu.dma_semaphore, #tpu.memory_space<semaphore_mem>>
    %dma_wait3A_100 = tpu.memref_squeeze %dma_wait3A_99 : memref<1x!tpu.dma_semaphore, #tpu.memory_space<semaphore_mem>> -> memref<!tpu.dma_semaphore, #tpu.memory_space<semaphore_mem>>
    %dma_wait3A_101 = arith.constant 0 : i32
    %dma_wait3A_102 = arith.constant 0 : i32
    %dma_wait3A_103 = tpu.memref_slice %arg3[%dma_wait3A_101, %dma_wait3A_102] : memref<100000x512xf32, #tpu.memory_space<hbm>> -> memref<64x512xf32, #tpu.memory_space<hbm>>
    tpu.wait_dma2 semaphore(%dma_wait3A_100 : memref<!tpu.dma_semaphore, #tpu.memory_space<semaphore_mem>>) src(%dma_wait3A_103 : memref<64x512xf32, #tpu.memory_space<hbm>>) dst(%arg8 : memref<64x512xf32, #tpu.memory_space<vmem>>)
    %add3A_104 = arith.constant 128 : i32
    %add3A_105 = arith.addi %mul3A_2, %add3A_104 : i32
    %dma_start3A_106 = arith.constant 2 : i32
    %dma_start3A_107 = arith.constant 0 : i32
    %dma_start3A_108 = tpu.memref_slice %arg4[%add3A_105, %dma_start3A_107] : memref<16384x512xf32, #tpu.memory_space<hbm>> -> memref<64x512xf32, #tpu.memory_space<hbm>>
    %dma_start3A_109 = tpu.memref_slice %arg10[%dma_start3A_106] : memref<3x!tpu.dma_semaphore, #tpu.memory_space<semaphore_mem>> -> memref<1x!tpu.dma_semaphore, #tpu.memory_space<semaphore_mem>>
    %dma_start3A_110 = tpu.memref_squeeze %dma_start3A_109 : memref<1x!tpu.dma_semaphore, #tpu.memory_space<semaphore_mem>> -> memref<!tpu.dma_semaphore, #tpu.memory_space<semaphore_mem>>
    %dma_start3A_111 = arith.constant 0 : i32
    %dma_start3A_112 = tpu.memref_slice %arg4[%add3A_105, %dma_start3A_111] : memref<16384x512xf32, #tpu.memory_space<hbm>> -> memref<64x512xf32, #tpu.memory_space<hbm>>
    tpu.enqueue_dma source(%arg8 : memref<64x512xf32, #tpu.memory_space<vmem>>) target(%dma_start3A_112 : memref<64x512xf32, #tpu.memory_space<hbm>>) target_semaphore(%dma_start3A_110 : memref<!tpu.dma_semaphore, #tpu.memory_space<semaphore_mem>>)
    %dma_wait3A_113 = arith.constant 2 : i32
    %dma_wait3A_114 = arith.constant 0 : i32
    %dma_wait3A_115 = arith.constant 0 : i32
    %dma_wait3A_116 = tpu.memref_slice %arg3[%dma_wait3A_114, %dma_wait3A_115] : memref<100000x512xf32, #tpu.memory_space<hbm>> -> memref<64x512xf32, #tpu.memory_space<hbm>>
    %dma_wait3A_117 = tpu.memref_slice %arg10[%dma_wait3A_113] : memref<3x!tpu.dma_semaphore, #tpu.memory_space<semaphore_mem>> -> memref<1x!tpu.dma_semaphore, #tpu.memory_space<semaphore_mem>>
    %dma_wait3A_118 = tpu.memref_squeeze %dma_wait3A_117 : memref<1x!tpu.dma_semaphore, #tpu.memory_space<semaphore_mem>> -> memref<!tpu.dma_semaphore, #tpu.memory_space<semaphore_mem>>
    %dma_wait3A_119 = arith.constant 0 : i32
    %dma_wait3A_120 = arith.constant 0 : i32
    %dma_wait3A_121 = tpu.memref_slice %arg3[%dma_wait3A_119, %dma_wait3A_120] : memref<100000x512xf32, #tpu.memory_space<hbm>> -> memref<64x512xf32, #tpu.memory_space<hbm>>
    tpu.wait_dma2 semaphore(%dma_wait3A_118 : memref<!tpu.dma_semaphore, #tpu.memory_space<semaphore_mem>>) src(%dma_wait3A_121 : memref<64x512xf32, #tpu.memory_space<hbm>>) dst(%arg8 : memref<64x512xf32, #tpu.memory_space<vmem>>)
    %dma_start3A_122 = arith.constant 2 : i32
    %dma_start3A_123 = arith.constant 320 : i32
    %dma_start3A_124 = tpu.memref_slice %arg5[%dma_start3A_123] : memref<512xi32, #tpu.memory_space<vmem>> -> memref<64xi32, #tpu.memory_space<vmem>>
    %dma_start3A_125 = arith.constant 0 : i32
    %dma_start3A_126 = arith.constant 0 : i32
    %dma_start3A_127 = tpu.memref_slice %arg3[%dma_start3A_125, %dma_start3A_126] : memref<100000x512xf32, #tpu.memory_space<hbm>> -> memref<100000x512xf32, #tpu.memory_space<hbm>>
    %dma_start3A_128 = tpu.memref_slice %arg9[%dma_start3A_122] : memref<3x!tpu.dma_semaphore, #tpu.memory_space<semaphore_mem>> -> memref<1x!tpu.dma_semaphore, #tpu.memory_space<semaphore_mem>>
    %dma_start3A_129 = tpu.memref_squeeze %dma_start3A_128 : memref<1x!tpu.dma_semaphore, #tpu.memory_space<semaphore_mem>> -> memref<!tpu.dma_semaphore, #tpu.memory_space<semaphore_mem>>
    tpu.enqueue_indirect_dma source(%dma_start3A_127 : memref<100000x512xf32, #tpu.memory_space<hbm>>) target(%arg8 : memref<64x512xf32, #tpu.memory_space<vmem>>) offsets(%dma_start3A_124 : memref<64xi32, #tpu.memory_space<vmem>>) semaphore(%dma_start3A_129 : memref<!tpu.dma_semaphore, #tpu.memory_space<semaphore_mem>>)
    %dma_wait3A_130 = arith.constant 0 : i32
    %dma_wait3A_131 = arith.constant 0 : i32
    %dma_wait3A_132 = arith.constant 0 : i32
    %dma_wait3A_133 = tpu.memref_slice %arg3[%dma_wait3A_131, %dma_wait3A_132] : memref<100000x512xf32, #tpu.memory_space<hbm>> -> memref<64x512xf32, #tpu.memory_space<hbm>>
    %dma_wait3A_134 = tpu.memref_slice %arg9[%dma_wait3A_130] : memref<3x!tpu.dma_semaphore, #tpu.memory_space<semaphore_mem>> -> memref<1x!tpu.dma_semaphore, #tpu.memory_space<semaphore_mem>>
    %dma_wait3A_135 = tpu.memref_squeeze %dma_wait3A_134 : memref<1x!tpu.dma_semaphore, #tpu.memory_space<semaphore_mem>> -> memref<!tpu.dma_semaphore, #tpu.memory_space<semaphore_mem>>
    %dma_wait3A_136 = arith.constant 0 : i32
    %dma_wait3A_137 = arith.constant 0 : i32
    %dma_wait3A_138 = tpu.memref_slice %arg3[%dma_wait3A_136, %dma_wait3A_137] : memref<100000x512xf32, #tpu.memory_space<hbm>> -> memref<64x512xf32, #tpu.memory_space<hbm>>
    tpu.wait_dma2 semaphore(%dma_wait3A_135 : memref<!tpu.dma_semaphore, #tpu.memory_space<semaphore_mem>>) src(%dma_wait3A_138 : memref<64x512xf32, #tpu.memory_space<hbm>>) dst(%arg6 : memref<64x512xf32, #tpu.memory_space<vmem>>)
    %add3A_139 = arith.constant 192 : i32
    %add3A_140 = arith.addi %mul3A_2, %add3A_139 : i32
    %dma_start3A_141 = arith.constant 0 : i32
    %dma_start3A_142 = arith.constant 0 : i32
    %dma_start3A_143 = tpu.memref_slice %arg4[%add3A_140, %dma_start3A_142] : memref<16384x512xf32, #tpu.memory_space<hbm>> -> memref<64x512xf32, #tpu.memory_space<hbm>>
    %dma_start3A_144 = tpu.memref_slice %arg10[%dma_start3A_141] : memref<3x!tpu.dma_semaphore, #tpu.memory_space<semaphore_mem>> -> memref<1x!tpu.dma_semaphore, #tpu.memory_space<semaphore_mem>>
    %dma_start3A_145 = tpu.memref_squeeze %dma_start3A_144 : memref<1x!tpu.dma_semaphore, #tpu.memory_space<semaphore_mem>> -> memref<!tpu.dma_semaphore, #tpu.memory_space<semaphore_mem>>
    %dma_start3A_146 = arith.constant 0 : i32
    %dma_start3A_147 = tpu.memref_slice %arg4[%add3A_140, %dma_start3A_146] : memref<16384x512xf32, #tpu.memory_space<hbm>> -> memref<64x512xf32, #tpu.memory_space<hbm>>
    tpu.enqueue_dma source(%arg6 : memref<64x512xf32, #tpu.memory_space<vmem>>) target(%dma_start3A_147 : memref<64x512xf32, #tpu.memory_space<hbm>>) target_semaphore(%dma_start3A_145 : memref<!tpu.dma_semaphore, #tpu.memory_space<semaphore_mem>>)
    %dma_wait3A_148 = arith.constant 0 : i32
    %dma_wait3A_149 = arith.constant 0 : i32
    %dma_wait3A_150 = arith.constant 0 : i32
    %dma_wait3A_151 = tpu.memref_slice %arg3[%dma_wait3A_149, %dma_wait3A_150] : memref<100000x512xf32, #tpu.memory_space<hbm>> -> memref<64x512xf32, #tpu.memory_space<hbm>>
    %dma_wait3A_152 = tpu.memref_slice %arg10[%dma_wait3A_148] : memref<3x!tpu.dma_semaphore, #tpu.memory_space<semaphore_mem>> -> memref<1x!tpu.dma_semaphore, #tpu.memory_space<semaphore_mem>>
    %dma_wait3A_153 = tpu.memref_squeeze %dma_wait3A_152 : memref<1x!tpu.dma_semaphore, #tpu.memory_space<semaphore_mem>> -> memref<!tpu.dma_semaphore, #tpu.memory_space<semaphore_mem>>
    %dma_wait3A_154 = arith.constant 0 : i32
    %dma_wait3A_155 = arith.constant 0 : i32
    %dma_wait3A_156 = tpu.memref_slice %arg3[%dma_wait3A_154, %dma_wait3A_155] : memref<100000x512xf32, #tpu.memory_space<hbm>> -> memref<64x512xf32, #tpu.memory_space<hbm>>
    tpu.wait_dma2 semaphore(%dma_wait3A_153 : memref<!tpu.dma_semaphore, #tpu.memory_space<semaphore_mem>>) src(%dma_wait3A_156 : memref<64x512xf32, #tpu.memory_space<hbm>>) dst(%arg6 : memref<64x512xf32, #tpu.memory_space<vmem>>)
    %dma_start3A_157 = arith.constant 0 : i32
    %dma_start3A_158 = arith.constant 384 : i32
    %dma_start3A_159 = tpu.memref_slice %arg5[%dma_start3A_158] : memref<512xi32, #tpu.memory_space<vmem>> -> memref<64xi32, #tpu.memory_space<vmem>>
    %dma_start3A_160 = arith.constant 0 : i32
    %dma_start3A_161 = arith.constant 0 : i32
    %dma_start3A_162 = tpu.memref_slice %arg3[%dma_start3A_160, %dma_start3A_161] : memref<100000x512xf32, #tpu.memory_space<hbm>> -> memref<100000x512xf32, #tpu.memory_space<hbm>>
    %dma_start3A_163 = tpu.memref_slice %arg9[%dma_start3A_157] : memref<3x!tpu.dma_semaphore, #tpu.memory_space<semaphore_mem>> -> memref<1x!tpu.dma_semaphore, #tpu.memory_space<semaphore_mem>>
    %dma_start3A_164 = tpu.memref_squeeze %dma_start3A_163 : memref<1x!tpu.dma_semaphore, #tpu.memory_space<semaphore_mem>> -> memref<!tpu.dma_semaphore, #tpu.memory_space<semaphore_mem>>
    tpu.enqueue_indirect_dma source(%dma_start3A_162 : memref<100000x512xf32, #tpu.memory_space<hbm>>) target(%arg6 : memref<64x512xf32, #tpu.memory_space<vmem>>) offsets(%dma_start3A_159 : memref<64xi32, #tpu.memory_space<vmem>>) semaphore(%dma_start3A_164 : memref<!tpu.dma_semaphore, #tpu.memory_space<semaphore_mem>>)
    %dma_wait3A_165 = arith.constant 1 : i32
    %dma_wait3A_166 = arith.constant 0 : i32
    %dma_wait3A_167 = arith.constant 0 : i32
    %dma_wait3A_168 = tpu.memref_slice %arg3[%dma_wait3A_166, %dma_wait3A_167] : memref<100000x512xf32, #tpu.memory_space<hbm>> -> memref<64x512xf32, #tpu.memory_space<hbm>>
    %dma_wait3A_169 = tpu.memref_slice %arg9[%dma_wait3A_165] : memref<3x!tpu.dma_semaphore, #tpu.memory_space<semaphore_mem>> -> memref<1x!tpu.dma_semaphore, #tpu.memory_space<semaphore_mem>>
    %dma_wait3A_170 = tpu.memref_squeeze %dma_wait3A_169 : memref<1x!tpu.dma_semaphore, #tpu.memory_space<semaphore_mem>> -> memref<!tpu.dma_semaphore, #tpu.memory_space<semaphore_mem>>
    %dma_wait3A_171 = arith.constant 0 : i32
    %dma_wait3A_172 = arith.constant 0 : i32
    %dma_wait3A_173 = tpu.memref_slice %arg3[%dma_wait3A_171, %dma_wait3A_172] : memref<100000x512xf32, #tpu.memory_space<hbm>> -> memref<64x512xf32, #tpu.memory_space<hbm>>
    tpu.wait_dma2 semaphore(%dma_wait3A_170 : memref<!tpu.dma_semaphore, #tpu.memory_space<semaphore_mem>>) src(%dma_wait3A_173 : memref<64x512xf32, #tpu.memory_space<hbm>>) dst(%arg7 : memref<64x512xf32, #tpu.memory_space<vmem>>)
    %add3A_174 = arith.constant 256 : i32
    %add3A_175 = arith.addi %mul3A_2, %add3A_174 : i32
    %dma_start3A_176 = arith.constant 1 : i32
    %dma_start3A_177 = arith.constant 0 : i32
    %dma_start3A_178 = tpu.memref_slice %arg4[%add3A_175, %dma_start3A_177] : memref<16384x512xf32, #tpu.memory_space<hbm>> -> memref<64x512xf32, #tpu.memory_space<hbm>>
    %dma_start3A_179 = tpu.memref_slice %arg10[%dma_start3A_176] : memref<3x!tpu.dma_semaphore, #tpu.memory_space<semaphore_mem>> -> memref<1x!tpu.dma_semaphore, #tpu.memory_space<semaphore_mem>>
    %dma_start3A_180 = tpu.memref_squeeze %dma_start3A_179 : memref<1x!tpu.dma_semaphore, #tpu.memory_space<semaphore_mem>> -> memref<!tpu.dma_semaphore, #tpu.memory_space<semaphore_mem>>
    %dma_start3A_181 = arith.constant 0 : i32
    %dma_start3A_182 = tpu.memref_slice %arg4[%add3A_175, %dma_start3A_181] : memref<16384x512xf32, #tpu.memory_space<hbm>> -> memref<64x512xf32, #tpu.memory_space<hbm>>
    tpu.enqueue_dma source(%arg7 : memref<64x512xf32, #tpu.memory_space<vmem>>) target(%dma_start3A_182 : memref<64x512xf32, #tpu.memory_space<hbm>>) target_semaphore(%dma_start3A_180 : memref<!tpu.dma_semaphore, #tpu.memory_space<semaphore_mem>>)
    %dma_wait3A_183 = arith.constant 1 : i32
    %dma_wait3A_184 = arith.constant 0 : i32
    %dma_wait3A_185 = arith.constant 0 : i32
    %dma_wait3A_186 = tpu.memref_slice %arg3[%dma_wait3A_184, %dma_wait3A_185] : memref<100000x512xf32, #tpu.memory_space<hbm>> -> memref<64x512xf32, #tpu.memory_space<hbm>>
    %dma_wait3A_187 = tpu.memref_slice %arg10[%dma_wait3A_183] : memref<3x!tpu.dma_semaphore, #tpu.memory_space<semaphore_mem>> -> memref<1x!tpu.dma_semaphore, #tpu.memory_space<semaphore_mem>>
    %dma_wait3A_188 = tpu.memref_squeeze %dma_wait3A_187 : memref<1x!tpu.dma_semaphore, #tpu.memory_space<semaphore_mem>> -> memref<!tpu.dma_semaphore, #tpu.memory_space<semaphore_mem>>
    %dma_wait3A_189 = arith.constant 0 : i32
    %dma_wait3A_190 = arith.constant 0 : i32
    %dma_wait3A_191 = tpu.memref_slice %arg3[%dma_wait3A_189, %dma_wait3A_190] : memref<100000x512xf32, #tpu.memory_space<hbm>> -> memref<64x512xf32, #tpu.memory_space<hbm>>
    tpu.wait_dma2 semaphore(%dma_wait3A_188 : memref<!tpu.dma_semaphore, #tpu.memory_space<semaphore_mem>>) src(%dma_wait3A_191 : memref<64x512xf32, #tpu.memory_space<hbm>>) dst(%arg7 : memref<64x512xf32, #tpu.memory_space<vmem>>)
    %dma_start3A_192 = arith.constant 1 : i32
    %dma_start3A_193 = arith.constant 448 : i32
    %dma_start3A_194 = tpu.memref_slice %arg5[%dma_start3A_193] : memref<512xi32, #tpu.memory_space<vmem>> -> memref<64xi32, #tpu.memory_space<vmem>>
    %dma_start3A_195 = arith.constant 0 : i32
    %dma_start3A_196 = arith.constant 0 : i32
    %dma_start3A_197 = tpu.memref_slice %arg3[%dma_start3A_195, %dma_start3A_196] : memref<100000x512xf32, #tpu.memory_space<hbm>> -> memref<100000x512xf32, #tpu.memory_space<hbm>>
    %dma_start3A_198 = tpu.memref_slice %arg9[%dma_start3A_192] : memref<3x!tpu.dma_semaphore, #tpu.memory_space<semaphore_mem>> -> memref<1x!tpu.dma_semaphore, #tpu.memory_space<semaphore_mem>>
    %dma_start3A_199 = tpu.memref_squeeze %dma_start3A_198 : memref<1x!tpu.dma_semaphore, #tpu.memory_space<semaphore_mem>> -> memref<!tpu.dma_semaphore, #tpu.memory_space<semaphore_mem>>
    tpu.enqueue_indirect_dma source(%dma_start3A_197 : memref<100000x512xf32, #tpu.memory_space<hbm>>) target(%arg7 : memref<64x512xf32, #tpu.memory_space<vmem>>) offsets(%dma_start3A_194 : memref<64xi32, #tpu.memory_space<vmem>>) semaphore(%dma_start3A_199 : memref<!tpu.dma_semaphore, #tpu.memory_space<semaphore_mem>>)
    %dma_wait3A_200 = arith.constant 2 : i32
    %dma_wait3A_201 = arith.constant 0 : i32
    %dma_wait3A_202 = arith.constant 0 : i32
    %dma_wait3A_203 = tpu.memref_slice %arg3[%dma_wait3A_201, %dma_wait3A_202] : memref<100000x512xf32, #tpu.memory_space<hbm>> -> memref<64x512xf32, #tpu.memory_space<hbm>>
    %dma_wait3A_204 = tpu.memref_slice %arg9[%dma_wait3A_200] : memref<3x!tpu.dma_semaphore, #tpu.memory_space<semaphore_mem>> -> memref<1x!tpu.dma_semaphore, #tpu.memory_space<semaphore_mem>>
    %dma_wait3A_205 = tpu.memref_squeeze %dma_wait3A_204 : memref<1x!tpu.dma_semaphore, #tpu.memory_space<semaphore_mem>> -> memref<!tpu.dma_semaphore, #tpu.memory_space<semaphore_mem>>
    %dma_wait3A_206 = arith.constant 0 : i32
    %dma_wait3A_207 = arith.constant 0 : i32
    %dma_wait3A_208 = tpu.memref_slice %arg3[%dma_wait3A_206, %dma_wait3A_207] : memref<100000x512xf32, #tpu.memory_space<hbm>> -> memref<64x512xf32, #tpu.memory_space<hbm>>
    tpu.wait_dma2 semaphore(%dma_wait3A_205 : memref<!tpu.dma_semaphore, #tpu.memory_space<semaphore_mem>>) src(%dma_wait3A_208 : memref<64x512xf32, #tpu.memory_space<hbm>>) dst(%arg8 : memref<64x512xf32, #tpu.memory_space<vmem>>)
    %add3A_209 = arith.constant 320 : i32
    %add3A_210 = arith.addi %mul3A_2, %add3A_209 : i32
    %dma_start3A_211 = arith.constant 2 : i32
    %dma_start3A_212 = arith.constant 0 : i32
    %dma_start3A_213 = tpu.memref_slice %arg4[%add3A_210, %dma_start3A_212] : memref<16384x512xf32, #tpu.memory_space<hbm>> -> memref<64x512xf32, #tpu.memory_space<hbm>>
    %dma_start3A_214 = tpu.memref_slice %arg10[%dma_start3A_211] : memref<3x!tpu.dma_semaphore, #tpu.memory_space<semaphore_mem>> -> memref<1x!tpu.dma_semaphore, #tpu.memory_space<semaphore_mem>>
    %dma_start3A_215 = tpu.memref_squeeze %dma_start3A_214 : memref<1x!tpu.dma_semaphore, #tpu.memory_space<semaphore_mem>> -> memref<!tpu.dma_semaphore, #tpu.memory_space<semaphore_mem>>
    %dma_start3A_216 = arith.constant 0 : i32
    %dma_start3A_217 = tpu.memref_slice %arg4[%add3A_210, %dma_start3A_216] : memref<16384x512xf32, #tpu.memory_space<hbm>> -> memref<64x512xf32, #tpu.memory_space<hbm>>
    tpu.enqueue_dma source(%arg8 : memref<64x512xf32, #tpu.memory_space<vmem>>) target(%dma_start3A_217 : memref<64x512xf32, #tpu.memory_space<hbm>>) target_semaphore(%dma_start3A_215 : memref<!tpu.dma_semaphore, #tpu.memory_space<semaphore_mem>>)
    %dma_wait3A_218 = arith.constant 0 : i32
    %dma_wait3A_219 = arith.constant 0 : i32
    %dma_wait3A_220 = arith.constant 0 : i32
    %dma_wait3A_221 = tpu.memref_slice %arg3[%dma_wait3A_219, %dma_wait3A_220] : memref<100000x512xf32, #tpu.memory_space<hbm>> -> memref<64x512xf32, #tpu.memory_space<hbm>>
    %dma_wait3A_222 = tpu.memref_slice %arg9[%dma_wait3A_218] : memref<3x!tpu.dma_semaphore, #tpu.memory_space<semaphore_mem>> -> memref<1x!tpu.dma_semaphore, #tpu.memory_space<semaphore_mem>>
    %dma_wait3A_223 = tpu.memref_squeeze %dma_wait3A_222 : memref<1x!tpu.dma_semaphore, #tpu.memory_space<semaphore_mem>> -> memref<!tpu.dma_semaphore, #tpu.memory_space<semaphore_mem>>
    %dma_wait3A_224 = arith.constant 0 : i32
    %dma_wait3A_225 = arith.constant 0 : i32
    %dma_wait3A_226 = tpu.memref_slice %arg3[%dma_wait3A_224, %dma_wait3A_225] : memref<100000x512xf32, #tpu.memory_space<hbm>> -> memref<64x512xf32, #tpu.memory_space<hbm>>
    tpu.wait_dma2 semaphore(%dma_wait3A_223 : memref<!tpu.dma_semaphore, #tpu.memory_space<semaphore_mem>>) src(%dma_wait3A_226 : memref<64x512xf32, #tpu.memory_space<hbm>>) dst(%arg6 : memref<64x512xf32, #tpu.memory_space<vmem>>)
    %add3A_227 = arith.constant 384 : i32
    %add3A_228 = arith.addi %mul3A_2, %add3A_227 : i32
    %dma_start3A_229 = arith.constant 0 : i32
    %dma_start3A_230 = arith.constant 0 : i32
    %dma_start3A_231 = tpu.memref_slice %arg4[%add3A_228, %dma_start3A_230] : memref<16384x512xf32, #tpu.memory_space<hbm>> -> memref<64x512xf32, #tpu.memory_space<hbm>>
    %dma_start3A_232 = tpu.memref_slice %arg10[%dma_start3A_229] : memref<3x!tpu.dma_semaphore, #tpu.memory_space<semaphore_mem>> -> memref<1x!tpu.dma_semaphore, #tpu.memory_space<semaphore_mem>>
    %dma_start3A_233 = tpu.memref_squeeze %dma_start3A_232 : memref<1x!tpu.dma_semaphore, #tpu.memory_space<semaphore_mem>> -> memref<!tpu.dma_semaphore, #tpu.memory_space<semaphore_mem>>
    %dma_start3A_234 = arith.constant 0 : i32
    %dma_start3A_235 = tpu.memref_slice %arg4[%add3A_228, %dma_start3A_234] : memref<16384x512xf32, #tpu.memory_space<hbm>> -> memref<64x512xf32, #tpu.memory_space<hbm>>
    tpu.enqueue_dma source(%arg6 : memref<64x512xf32, #tpu.memory_space<vmem>>) target(%dma_start3A_235 : memref<64x512xf32, #tpu.memory_space<hbm>>) target_semaphore(%dma_start3A_233 : memref<!tpu.dma_semaphore, #tpu.memory_space<semaphore_mem>>)
    %dma_wait3A_236 = arith.constant 1 : i32
    %dma_wait3A_237 = arith.constant 0 : i32
    %dma_wait3A_238 = arith.constant 0 : i32
    %dma_wait3A_239 = tpu.memref_slice %arg3[%dma_wait3A_237, %dma_wait3A_238] : memref<100000x512xf32, #tpu.memory_space<hbm>> -> memref<64x512xf32, #tpu.memory_space<hbm>>
    %dma_wait3A_240 = tpu.memref_slice %arg9[%dma_wait3A_236] : memref<3x!tpu.dma_semaphore, #tpu.memory_space<semaphore_mem>> -> memref<1x!tpu.dma_semaphore, #tpu.memory_space<semaphore_mem>>
    %dma_wait3A_241 = tpu.memref_squeeze %dma_wait3A_240 : memref<1x!tpu.dma_semaphore, #tpu.memory_space<semaphore_mem>> -> memref<!tpu.dma_semaphore, #tpu.memory_space<semaphore_mem>>
    %dma_wait3A_242 = arith.constant 0 : i32
    %dma_wait3A_243 = arith.constant 0 : i32
    %dma_wait3A_244 = tpu.memref_slice %arg3[%dma_wait3A_242, %dma_wait3A_243] : memref<100000x512xf32, #tpu.memory_space<hbm>> -> memref<64x512xf32, #tpu.memory_space<hbm>>
    tpu.wait_dma2 semaphore(%dma_wait3A_241 : memref<!tpu.dma_semaphore, #tpu.memory_space<semaphore_mem>>) src(%dma_wait3A_244 : memref<64x512xf32, #tpu.memory_space<hbm>>) dst(%arg7 : memref<64x512xf32, #tpu.memory_space<vmem>>)
    %add3A_245 = arith.constant 448 : i32
    %add3A_246 = arith.addi %mul3A_2, %add3A_245 : i32
    %dma_start3A_247 = arith.constant 1 : i32
    %dma_start3A_248 = arith.constant 0 : i32
    %dma_start3A_249 = tpu.memref_slice %arg4[%add3A_246, %dma_start3A_248] : memref<16384x512xf32, #tpu.memory_space<hbm>> -> memref<64x512xf32, #tpu.memory_space<hbm>>
    %dma_start3A_250 = tpu.memref_slice %arg10[%dma_start3A_247] : memref<3x!tpu.dma_semaphore, #tpu.memory_space<semaphore_mem>> -> memref<1x!tpu.dma_semaphore, #tpu.memory_space<semaphore_mem>>
    %dma_start3A_251 = tpu.memref_squeeze %dma_start3A_250 : memref<1x!tpu.dma_semaphore, #tpu.memory_space<semaphore_mem>> -> memref<!tpu.dma_semaphore, #tpu.memory_space<semaphore_mem>>
    %dma_start3A_252 = arith.constant 0 : i32
    %dma_start3A_253 = tpu.memref_slice %arg4[%add3A_246, %dma_start3A_252] : memref<16384x512xf32, #tpu.memory_space<hbm>> -> memref<64x512xf32, #tpu.memory_space<hbm>>
    tpu.enqueue_dma source(%arg7 : memref<64x512xf32, #tpu.memory_space<vmem>>) target(%dma_start3A_253 : memref<64x512xf32, #tpu.memory_space<hbm>>) target_semaphore(%dma_start3A_251 : memref<!tpu.dma_semaphore, #tpu.memory_space<semaphore_mem>>)
    %dma_wait3A_254 = arith.constant 2 : i32
    %dma_wait3A_255 = arith.constant 0 : i32
    %dma_wait3A_256 = arith.constant 0 : i32
    %dma_wait3A_257 = tpu.memref_slice %arg3[%dma_wait3A_255, %dma_wait3A_256] : memref<100000x512xf32, #tpu.memory_space<hbm>> -> memref<64x512xf32, #tpu.memory_space<hbm>>
    %dma_wait3A_258 = tpu.memref_slice %arg10[%dma_wait3A_254] : memref<3x!tpu.dma_semaphore, #tpu.memory_space<semaphore_mem>> -> memref<1x!tpu.dma_semaphore, #tpu.memory_space<semaphore_mem>>
    %dma_wait3A_259 = tpu.memref_squeeze %dma_wait3A_258 : memref<1x!tpu.dma_semaphore, #tpu.memory_space<semaphore_mem>> -> memref<!tpu.dma_semaphore, #tpu.memory_space<semaphore_mem>>
    %dma_wait3A_260 = arith.constant 0 : i32
    %dma_wait3A_261 = arith.constant 0 : i32
    %dma_wait3A_262 = tpu.memref_slice %arg3[%dma_wait3A_260, %dma_wait3A_261] : memref<100000x512xf32, #tpu.memory_space<hbm>> -> memref<64x512xf32, #tpu.memory_space<hbm>>
    tpu.wait_dma2 semaphore(%dma_wait3A_259 : memref<!tpu.dma_semaphore, #tpu.memory_space<semaphore_mem>>) src(%dma_wait3A_262 : memref<64x512xf32, #tpu.memory_space<hbm>>) dst(%arg8 : memref<64x512xf32, #tpu.memory_space<vmem>>)
    %dma_wait3A_263 = arith.constant 0 : i32
    %dma_wait3A_264 = arith.constant 0 : i32
    %dma_wait3A_265 = arith.constant 0 : i32
    %dma_wait3A_266 = tpu.memref_slice %arg3[%dma_wait3A_264, %dma_wait3A_265] : memref<100000x512xf32, #tpu.memory_space<hbm>> -> memref<64x512xf32, #tpu.memory_space<hbm>>
    %dma_wait3A_267 = tpu.memref_slice %arg10[%dma_wait3A_263] : memref<3x!tpu.dma_semaphore, #tpu.memory_space<semaphore_mem>> -> memref<1x!tpu.dma_semaphore, #tpu.memory_space<semaphore_mem>>
    %dma_wait3A_268 = tpu.memref_squeeze %dma_wait3A_267 : memref<1x!tpu.dma_semaphore, #tpu.memory_space<semaphore_mem>> -> memref<!tpu.dma_semaphore, #tpu.memory_space<semaphore_mem>>
    %dma_wait3A_269 = arith.constant 0 : i32
    %dma_wait3A_270 = arith.constant 0 : i32
    %dma_wait3A_271 = tpu.memref_slice %arg3[%dma_wait3A_269, %dma_wait3A_270] : memref<100000x512xf32, #tpu.memory_space<hbm>> -> memref<64x512xf32, #tpu.memory_space<hbm>>
    tpu.wait_dma2 semaphore(%dma_wait3A_268 : memref<!tpu.dma_semaphore, #tpu.memory_space<semaphore_mem>>) src(%dma_wait3A_271 : memref<64x512xf32, #tpu.memory_space<hbm>>) dst(%arg6 : memref<64x512xf32, #tpu.memory_space<vmem>>)
    %dma_wait3A_272 = arith.constant 1 : i32
    %dma_wait3A_273 = arith.constant 0 : i32
    %dma_wait3A_274 = arith.constant 0 : i32
    %dma_wait3A_275 = tpu.memref_slice %arg3[%dma_wait3A_273, %dma_wait3A_274] : memref<100000x512xf32, #tpu.memory_space<hbm>> -> memref<64x512xf32, #tpu.memory_space<hbm>>
    %dma_wait3A_276 = tpu.memref_slice %arg10[%dma_wait3A_272] : memref<3x!tpu.dma_semaphore, #tpu.memory_space<semaphore_mem>> -> memref<1x!tpu.dma_semaphore, #tpu.memory_space<semaphore_mem>>
    %dma_wait3A_277 = tpu.memref_squeeze %dma_wait3A_276 : memref<1x!tpu.dma_semaphore, #tpu.memory_space<semaphore_mem>> -> memref<!tpu.dma_semaphore, #tpu.memory_space<semaphore_mem>>
    %dma_wait3A_278 = arith.constant 0 : i32
    %dma_wait3A_279 = arith.constant 0 : i32
    %dma_wait3A_280 = tpu.memref_slice %arg3[%dma_wait3A_278, %dma_wait3A_279] : memref<100000x512xf32, #tpu.memory_space<hbm>> -> memref<64x512xf32, #tpu.memory_space<hbm>>
    tpu.wait_dma2 semaphore(%dma_wait3A_277 : memref<!tpu.dma_semaphore, #tpu.memory_space<semaphore_mem>>) src(%dma_wait3A_280 : memref<64x512xf32, #tpu.memory_space<hbm>>) dst(%arg7 : memref<64x512xf32, #tpu.memory_space<vmem>>)
    return
  }
}

module attributes {stable_mosaic.version = 14 : i64} {
  func.func @_mm_body(%arg0: i32, %arg1: memref<2048x512xf32, #tpu.memory_space<vmem>>, %arg2: memref<512x64xf32, #tpu.memory_space<vmem>>, %arg3: memref<2048x64xf32, #tpu.memory_space<vmem>>) attributes {dimension_semantics = [#tpu.dimension_semantics<arbitrary>], iteration_bounds = array<i64: 8>, scalar_prefetch = 0 : i64, scratch_operands = 0 : i64, tpu.core_type = #tpu.core_type<tc>, window_params = [{transform_indices = @transform_0, window_bounds = array<i64: 2048, 512>}, {pipeline_mode = #tpu.pipeline_mode<synchronous>, transform_indices = @transform_1, window_bounds = array<i64: 512, 64>}, {transform_indices = @transform_2, window_bounds = array<i64: 2048, 64>}]} {
    %get3A = arith.constant 0 : index
    %get3A_0 = arith.constant 0 : index
    %get3A_1 = vector.load %arg1[%get3A, %get3A_0] : memref<2048x512xf32, #tpu.memory_space<vmem>>, vector<2048x512xf32>
    %get3A_2 = arith.constant 0 : index
    %get3A_3 = arith.constant 0 : index
    %get3A_4 = vector.load %arg2[%get3A_2, %get3A_3] : memref<512x64xf32, #tpu.memory_space<vmem>>, vector<512x64xf32>
    %dot_general3A = arith.constant dense<0.000000e+00> : vector<2048x64xf32>
    %dot_general3A_5 = tpu.matmul %get3A_1, %get3A_4, %dot_general3A {dimension_numbers = #tpu.dot_dimension_numbers<[1], [0], [0], [1], [0, 0, 1, 1], [], []>, transpose_lhs_hint = false} : vector<2048x512xf32>, vector<512x64xf32>, vector<2048x64xf32> -> vector<2048x64xf32>
    %swap3A = arith.constant 0 : index
    %swap3A_6 = arith.constant 0 : index
    %swap3A_7 = vector.load %arg3[%swap3A, %swap3A_6] : memref<2048x64xf32, #tpu.memory_space<vmem>>, vector<2048x64xf32>
    tpu.vector_store %arg3[%swap3A, %swap3A_6], %dot_general3A_5 {strides = array<i32>} : memref<2048x64xf32, #tpu.memory_space<vmem>>, vector<2048x64xf32>,
    return
  }
  func.func @transform_0(%arg0: i32) -> (i32, i32) {
    %c0_i32 = arith.constant 0 : i32
    %c0_i32_0 = arith.constant 0 : i32
    return %arg0, %c0_i32 : i32, i32
  }
  func.func @transform_1(%arg0: i32) -> (i32, i32) {
    %c0_i32 = arith.constant 0 : i32
    %c0_i32_0 = arith.constant 0 : i32
    %c0_i32_1 = arith.constant 0 : i32
    return %c0_i32, %c0_i32_0 : i32, i32
  }
  func.func @transform_2(%arg0: i32) -> (i32, i32) {
    %c0_i32 = arith.constant 0 : i32
    %c0_i32_0 = arith.constant 0 : i32
    return %arg0, %c0_i32 : i32, i32
  }
}

</mosaic_0001>

<sc_bundles>
// kernel: kernel.4.cloned.1.call-start
scs
__scs_entry_jumppad:
0x0: {  	(pc) =	sbr.rel $0x88, $3  }
0x1: {  	(tag) =	ssettag $0x0;
	lr =	simm.s32 $0x1  }
0x2: {  	[smem:$0x3F9E] =	sst lr;
	_ =	strace $0xD0000000  }
0x3: {  	_ = 	snop  }
0x4: {  	_ = 	snop  }
0x5: {  	_ = 	snop  }
0x6: {  	_ = 	snop  }
0x7: {  	_ = 	snop  }
__scs_overlays_trampoline_lowered:
0x8: {  	[smem:$0x3FAD] =	sst s0  }
0x9: {  	[smem:$0x3FAE] =	sst s1  }
0xa: {  	[smem:$0x3FAF] =	sst s2  }
0xb: {  	[smem:$0x3FB0] =	sst s3  }
0xc: {  	[smem:$0x3FB1] =	sst s4  }
0xd: {  	[smem:$0x3FB2] =	sst s5  }
0xe: {  	[smem:$0x3FB3] =	sst s6  }
0xf: {  	[smem:$0x3FB4] =	sst s7  }
0x10: {  	[smem:$0x3FB5] =	sst s8  }
0x11: {  	[smem:$0x3FB6] =	sst s9;
	s0 =	simm.s32 @!p0 $0x0  }
0x12: {  	s1 =	sld [smem:$0x3F9C];
	s0 =	simm.s32 @p0 $0x1  }
0x13: {  	[smem:$0x3FB7] =	sst s0;
	s0 =	simm.s32 @!p1 $0x0  }
0x14: {  	s2 =	sld [smem:$0x3F9B];
	s0 =	simm.s32 @p1 $0x1  }
0x15: {  	[smem:$0x3FB8] =	sst s0;
	s0 =	simm.s32 @!p2 $0x0  }
0x16: {  	s3 =	sld [smem:$0x3FDB];
	s0 =	simm.s32 @p2 $0x1  }
0x17: {  	s4 =	simm.s32 $0x1BF5;
	[smem:$0x3FBA] =	sst s0  }
0x18: {  	s0 =	sld [smem:$0x3F9D];
	_ =	swait.ge [sflag:s4], $0x0  }
0x19: {  	s7 =	sld [smem:$0x3F9E]  }
0x1a: {  	s8 =	sadd.s32 $0xFFFFE003, lr  }
0x1b: {  	s9 =	sadd.s32 $0xFFFFFEF7, lr;
	s5 =	simm.s32 $0xFFFFFFFF;
	p2 =	slt.u32 s8, $0xFFFFF086  }
0x1c: {  	p1 =	slt.u32 s9, $0xF7A;
	s5 =	simm.s32 @!p2 $0x0  }
0x1d: {  	s5 =	simm.s32 @p1 $0x1;
	p0 =	seq.s32 s7, s2  }
0x1e: {  	s7 =	smul.u32 @!p0 $0xF7A, s2;
	p2 =	seq.s32 @!p0 s5, $0x0  }
0x1f: {  	s9 =	smul.u32 $0xF7A, s1;
	s8 =	simm.s32 @!p0 $0x1BF5;
	p2 =	por !p2, p0  }
0x20: {  	[sflag:s8] =	ssyncset.s32 @!p0 $0xFFFFF086;
	s6 =	sadd.s32 @!p0 s3, s7;
	s7 =	simm.s32 @!p0 $0x108  }
0x21: {  	s3 =	sadd.s32 s3, s9;
	s6 =	sadd.s32 @!p0 $0x88, s6;
	s7 =	simm.s32 @p2 $0x1082  }
0x22: {  	[simem:s7], [sflag:s8] =	dma.local @!p0 [hbm:s6], $0xF7A  }
0x23: {  	s9 =	sor.u32 $0xD0000000, s2;
	s6 =	simm.s32 $0x108;
	_ =	swait.ge @!p0 [sflag:s8], $0x0  }
0x24: {  	s3 =	sadd.s32 $0x88, s3;
	s6 =	simm.s32 @!p1 $0x1082;
	[sflag:s4] =	ssyncset.s32 $0xFFFFF086  }
0x25: {  	[simem:s6], [sflag:s4] =	dma.local [hbm:s3], $0xF7A  }
0x26: {  	[smem:$0x3F9E] =	sst s1;
	(tag) =	ssettag s2;
	_ =	strace s9  }
0x27: {  	s1 =	sld [smem:$0x3FAE]  }
0x28: {  	s2 =	sld [smem:$0x3FAF]  }
0x29: {  	s4 =	sld [smem:$0x3FB1]  }
0x2a: {  	p0 =	seq.s32 s5, $0x0;
	s5 =	sld [smem:$0x3FB2]  }
0x2b: {  	s6 =	sld [smem:$0x3FB3]  }
0x2c: {  	s7 =	sld [smem:$0x3FB4]  }
0x2d: {  	s3 =	simm.s32 $0x108;
	s8 =	sld [smem:$0x3FB5]  }
0x2e: {  	s3 =	simm.s32 @!p0 $0x1082;
	s9 =	sld [smem:$0x3FB6]  }
0x2f: {  	lr =	sadd.s32 s0, s3;
	s0 =	sld [smem:$0x3FAD]  }
0x30: {  	s3 =	sld [smem:$0x3FB0]  }
0x31: {  	[smem:$0x3FB9] =	sst s10  }
0x32: {  	s10 =	sld [smem:$0x3FB7];
	_ =	sdelay $0x3  }
0x33: {  	p0 =	seq.s32 s10, $0x1;
	s10 =	sld [smem:$0x3FB9];
	_ =	sdelay $0x3  }
0x34: {  	[smem:$0x3FB9] =	sst s10  }
0x35: {  	s10 =	sld [smem:$0x3FB8];
	_ =	sdelay $0x3  }
0x36: {  	p1 =	seq.s32 s10, $0x1;
	s10 =	sld [smem:$0x3FB9];
	_ =	sdelay $0x3  }
0x37: {  	[smem:$0x3FB9] =	sst s10  }
0x38: {  	s10 =	sld [smem:$0x3FBA]  }
0x39: {  	_ = 	snop;
	(pc) =	sbr.ind lr, $3  }
0x3a: {  	_ = 	snop  }
0x3b: {  	_ = 	snop  }
0x3c: {  	p2 =	seq.s32 s10, $0x1;
	s10 =	sld [smem:$0x3FB9]  }
0x3d: {  	_ =	shalt  }
0x3e: {  	_ =	shalt  }
0x3f: {  	_ =	shalt  }
0x40: {  	_ =	shalt  }
0x41: {  	_ =	shalt  }
0x42: {  	_ =	shalt  }
0x43: {  	_ =	shalt  }
0x44: {  	_ =	shalt  }
0x45: {  	_ =	shalt  }
0x46: {  	_ =	shalt  }
0x47: {  	_ =	shalt  }
0x48: {  	_ =	shalt  }
0x49: {  	_ =	shalt  }
0x4a: {  	_ =	shalt  }
0x4b: {  	_ =	shalt  }
0x4c: {  	_ =	shalt  }
0x4d: {  	_ =	shalt  }
0x4e: {  	_ =	shalt  }
0x4f: {  	_ =	shalt  }
0x50: {  	_ =	shalt  }
0x51: {  	_ =	shalt  }
0x52: {  	_ =	shalt  }
0x53: {  	_ =	shalt  }
0x54: {  	_ =	shalt  }
0x55: {  	_ =	shalt  }
0x56: {  	_ =	shalt  }
0x57: {  	_ =	shalt  }
0x58: {  	_ =	shalt  }
0x59: {  	_ =	shalt  }
0x5a: {  	_ =	shalt  }
0x5b: {  	_ =	shalt  }
0x5c: {  	_ =	shalt  }
0x5d: {  	_ =	shalt  }
0x5e: {  	_ =	shalt  }
0x5f: {  	_ =	shalt  }
0x60: {  	_ =	shalt  }
0x61: {  	_ =	shalt  }
0x62: {  	_ =	shalt  }
0x63: {  	_ =	shalt  }
0x64: {  	_ =	shalt  }
0x65: {  	_ =	shalt  }
0x66: {  	_ =	shalt  }
0x67: {  	_ =	shalt  }
0x68: {  	_ =	shalt  }
0x69: {  	_ =	shalt  }
0x6a: {  	_ =	shalt  }
0x6b: {  	_ =	shalt  }
0x6c: {  	_ =	shalt  }
0x6d: {  	_ =	shalt  }
0x6e: {  	_ =	shalt  }
0x6f: {  	_ =	shalt  }
0x70: {  	_ =	shalt  }
0x71: {  	_ =	shalt  }
0x72: {  	_ =	shalt  }
0x73: {  	_ =	shalt  }
0x74: {  	_ =	shalt  }
0x75: {  	_ =	shalt  }
0x76: {  	_ =	shalt  }
0x77: {  	_ =	shalt  }
0x78: {  	_ =	shalt  }
0x79: {  	_ =	shalt  }
0x7a: {  	_ =	shalt  }
0x7b: {  	_ =	shalt  }
0x7c: {  	_ =	shalt  }
0x7d: {  	_ =	shalt  }
0x7e: {  	_ =	shalt  }
0x7f: {  	_ =	shalt  }
0x80: {  	_ =	shalt  }
0x81: {  	_ =	shalt  }
0x82: {  	_ =	shalt  }
0x83: {  	_ =	shalt  }
0x84: {  	_ =	shalt  }
0x85: {  	_ =	shalt  }
0x86: {  	_ =	shalt  }
0x87: {  	_ =	shalt  }
.Lfunc_end0:
.L_simem_size_0:
called_computation_lowered:
.L_overlay_start_0:
0x88: {  	s2 =	sld [smem:$0x3FD9]  }
0x89: {  	s3 =	sld [smem:$0x3FFE];
	_ =	sdelay $0x1  }
0x8a: {  	s1 =	srdreg.scid  }
0x8b: {  	s0 =	sand.u32 $0x1, s1  }
0x8c: {  	s17 =	sshll.u32 s0, $0xA;
	s2 =	sadd.s32 s3, s2  }
0x8d: {  	s2 =	sadd.s32 s2, s17  }
0x8e: {  	[smem:$0x3FC5] =	sst s2  }
0x8f: {  	_ = 	snop  }
0x90: {  	s2 =	sld [smem:$0x3FC9]  }
0x91: {  	s18 =	sld [smem:$0x3FC8];
	(tm) =	ssettm $0x1  }
0x92: {  	s4 =	sld [smem:$0x3FFB];
	_ =	sdelay $0x3  }
0x93: {  	_ =	strace s4  }
0x94: {  	s4 =	sld [smem:$0x3FFC];
	_ =	sdelay $0x3  }
0x95: {  	_ =	strace s4  }
0x96: {  	s4 =	sld [smem:$0x3FFD];
	_ =	sdelay $0x3  }
0x97: {  	_ =	strace s4  }
0x98: {  	_ =	strace $0x8FFFFFFF  }
0x99: {  	s19 =	sld [smem:$0x3FDB];
	_ =	sdelay $0x1  }
0x9a: {  	s5 =	simm.s32 $_scs_section_size  }
0x9b: {  	s6 =	simm.s32 $_size__tile_overlayer_lowered;
	s7 =	simm.s32 $_tile_overlayer_lowered  }
0x9c: {  	s22 =	simm.s32 $0x1BFF;
	s21 =	sshll.u32 s7, $0x1;
	s4 =	sadd.s32 s5, s19  }
0x9d: {  	s8 =	simm.s32 $0x0;
	s20 =	sshll.u32 s6, $0x1;
	s6 =	sadd.s32 s21, s4  }
0x9e: {  	[timem:s8], [sflag:s22] =	dma.local [hbm:s6], s20  }
0x9f: {  	_ =	swait.ge [sflag:s22], s20  }
0xa0: {  	s5 =	ssub.s32 $0x0, s20;
	[sflag:s22] =	ssyncset.done $0x0  }
0xa1: {  	[sflag:s22] =	ssyncadd.s32 s5;
	_ =	sdelay $0x1  }
0xa2: {  	s23 =	simm.s32 $0x1B8B  }
0xa3: {  	_ =	swait.ge [sflag:s23], $0x1  }
0xa4: {  	[sflag:s23] =	ssyncset.done $0x0  }
0xa5: {  	s25 =	simm.s32 $0x1B8E;
	s24 =	sld [smem:$0x3FFE];
	[sflag:s23] =	ssyncadd.s32 $0xFFFFFFFF  }
0xa6: {  	s26 =	simm.s32 $execute0_lowered;
	[smem:$0x3FD2] =	sst s25  }
0xa7: {  	s6 =	sshll.u32 s26, $0x1;
	_ =	strace $0x80000046;
	[dreg:$0x1] =	wrdreg $0xFFFFFFFF  }
0xa8: {  	s28 =	simm.s32 $_size_execute0_lowered;
	s4 =	sadd.s32 s4, s6;
	[dreg:$0x0] =	wrdreg $0x0  }
0xa9: {  	s6 =	sshll.u32 s28, $0x1;
	[dreg:$0x2] =	wrdreg s4  }
0xaa: {  	[dreg:$0x3] =	wrdreg s6  }
0xab: {  	[dreg:$0x4] =	wrdreg $0xC0  }
0xac: {  	_ =	task [dreg:s8], $0x5FFFF  }
0xad: {  	[dreg:$0x1] =	wrdreg $0xFFFFFFFF  }
0xae: {  	[dreg:$0x0] =	wrdreg $0x60  }
0xaf: {  	[dreg:$0x2] =	wrdreg s2  }
0xb0: {  	[dreg:$0x3] =	wrdreg s18  }
0xb1: {  	[dreg:$0x4] =	wrdreg s24  }
0xb2: {  	[dreg:$0x5] =	wrdreg $0x9  }
0xb3: {  	_ =	task.clear_ibuf [dreg:s8], $0x6FFFF;
	_ =	strace $0x90000046  }
0xb4: {  	s29 =	simm.s32 $0x9;
	_ =	strace $0x80000048  }
0xb5: {  	_ =	swait.ge [sflag:s29], $0x1  }
0xb6: {  	[sflag:s29] =	ssyncadd.s32 $0xFFFFFFFF  }
0xb7: {  	_ =	strace $0x90000048  }
0xb8: {  	_ =	sfence  }
0xb9: {  	s30 =	sld [smem:$0x0];
	_ =	sdelay $0x2  }
0xba: {  	s31 =	sshll.u32 s1, $0xD;
	s1 =	sshrl.u32 s1, $0x2  }
0xbb: {  	s3 =	sand.u32 $0x4000, s31;
	s1 =	sadd.s32 s1, s30  }
0xbc: {  	s0 =	sor.u32 s3, s0;
	s1 =	sshll.u32 s1, $0x11  }
0xbd: {  	s0 =	sor.u32 s1, s0  }
0xbe: {  	s0 =	sadd.s32 $0x8F2B, s0  }
0xbf: {  	[sflag:s0] =	ssyncadd.remote.s32 $0x1  }
0xc0: {  	_ =	sfence.sel $0xFFFF  }
0xc1: {  	[dreg:$0x0] =	wrdreg $0xFFFFFFFF;
	(pc) =	sbr.abs _section_cstart, $3  }
0xc2: {  	[dreg:$0x1] =	wrdreg $0xFFFFFFFF  }
0xc3: {  	_ =	task.clear_ibuf [dreg:s8], $0x2FFFF;
	_ =	strace $0x9FFFFFFF  }
0xc4: {  	(tm) =	ssettm $0x7FFFFFFF  }
0xc5: {  	_ =	shalt  }
tec
execute0_lowered:
.L_overlay_start_1:
0x0: {  	(tag) =	ssettag $0x1  }
0x1: {  	s0 =	rddreg [dreg:$0x0]  }
0x2: {  	s1 =	srdreg.scid;
	s2 =	rddreg [dreg:$0x1]  }
0x3: {  	s3 =	stileid.u32;
	s4 =	rddreg [dreg:$0x2]  }
0x4: {  	s14 =	simm.s32 $0x1;
	s15 =	simm.s32 $0x4;
	s16 =	simm.s32 $0x2  }
0x5: {  	s17 =	simm.s32 $0x5;
	s29 =	simm.s32 $0x3;
	s30 =	simm.s32 $0x4200  }
0x6: {  	s31 =	simm.s32 $0x4A00;
	s7 =	simm.s32 $0x10200;
	s11 =	simm.s32 $0x10A00  }
0x7: {  	s12 =	simm.s32 $0x11200;
	s13 =	simm.s32 $0x11A00;
	s1 =	sand.u32 $0x1, s1  }
0x8: {  	s8 =	simm.s32 $0x13A00;
	s5 =	sshll.u32 s3, $0xA;
	s6 =	sshll.u32 s1, $0x9  }
0x9: {  	s9 =	simm.s32 $0x14200;
	s10 =	simm.s32 $0x14A00;
	s5 =	sor.u32 s6, s5  }
0xa: {  	s3 =	simm.s32 $0x0;
	s6 =	sshll.u32 s5, $0x6;
	s5 =	sshrl.u32 s5, $0x3  }
0xb: {  	[smem:$0x7FF] =	sst s3;
	s6 =	sadd.s32 s6, s4;
	s0 =	sadd.s32 s0, s5  }
0xc: {  	_ =	strace $0x80000047;
	[dreg:$0x4] =	wrdreg s0;
	s18 =	sadd.s32 $0x600, s6  }
0xd: {  	s28 =	simm.s32 $0x17A00;
	s19 =	sadd.s32 $0x1600, s6;
	[dreg:$0x5] =	wrdreg s18  }
0xe: {  	s1 =	ssub.s32 $0x2, s1;
	s20 =	sadd.s32 $0x2600, s6;
	[dreg:$0x6] =	wrdreg s19  }
0xf: {  	s23 =	sshrl.u32 s1, $0x1;
	s21 =	sadd.s32 $0x3600, s6;
	[dreg:$0x7] =	wrdreg s20  }
0x10: {  	s1 =	ssub.s32 s1, s23;
	s22 =	sadd.s32 $0x4600, s6;
	[dreg:$0x8] =	wrdreg s21  }
0x11: {  	s23 =	simm.s32 $0x200;
	s24 =	sadd.s32 $0x5600, s6;
	[dreg:$0x9] =	wrdreg s22  }
0x12: {  	s4 =	sadd.s32 $0x100, s2;
	s25 =	sadd.s32 $0x6600, s6;
	[dreg:$0xa] =	wrdreg s24  }
0x13: {  	s5 =	smax.u32 s1, $0x1;
	s26 =	sadd.s32 $0x7600, s6;
	[dreg:$0xb] =	wrdreg s25  }
0x14: {  	v2 =	vlaneseq.u32;
	s6 =	simm.s32 $0x12A00;
	[dreg:$0xc] =	wrdreg s26;
	s19 =	simm.s32 $0x6  }
0x15: {  	vm0 =	vmmov $0xffff;
	v1 =	vshrl.u32 v2, $0x3;
	s18 =	simm.s32 $0x13200;
	s21 =	simm.s32 $0x15200;
	s22 =	simm.s32 $0x15A00  }
0x16: {  	v0 =	vand.u32 $0x7, v2;
	v2 =	vor.u32 $0x8, v2;
	v1 =	vmul.u32 $0x8, v1;
	s24 =	simm.s32 $0x16200;
	s25 =	simm.s32 $0x16A00;
	s26 =	simm.s32 $0x17200  }
.LBB2_1:
0x17: {  	s20 =	rddreg [dreg:$0x4];
	s1 =	simm.s32 $0x7  }
0x18: {  	[tilespmem:s3], [sflag:$0x7] =	stream.linear.gather [hbm4b:s20+s3], $0x200, $0x38;
	[tilespmem:$0x18200] =	vst v63  }
0x19: {  	_ =	swait.ge [sflag:s1], $0x200  }
0x1a: {  	[sflag:s1] =	ssyncset.done $0x0  }
0x1b: {  	[sflag:s1] =	ssyncadd.s32 $0xFFFFFE00  }
0x1c: {  	v3 =	vld [tilespmem:$0x0];
	_ =	sdelay $0x4  }
0x1d: {  	v4 =	vshll.u32 v3, $0x2  }
0x1e: {  	v3 =	vand.u32 $0x7, v3;
	v4 =	vand.u32 $0xFFFFFFE0, v4  }
0x1f: {  	v3 =	vor.u32 v3, v4  }
0x20: {  	v4 =	vperm.xlane v3, v0;
	_ =	sdelay $0x1  }
0x21: {  	v4 =	vadd.s32 v1, v4;
	_ =	sdelay $0x1  }
0x22: {  	v3 =	vperm.xlane v3, v2;
	_ =	sdelay $0x1  }
0x23: {  	v3 =	vadd.s32 v1, v3  }
0x24: {  	[tilespmem:s23], [sflag:$0x1] =	stream.indirect_vreg.gather [hbm4b:s2+s3], $0x80, v4, vm0, $0xb8;
	[tilespmem:$0x18200] =	vst v63  }
0x25: {  	s0 =	simm.s32 $0xA00  }
0x26: {  	[tilespmem:s0], [sflag:$0x1] =	stream.indirect_vreg.gather [hbm4b:s4+s3], $0x80, v4, vm0, $0xb8;
	[tilespmem:$0x18200] =	vst v63  }
0x27: {  	s20 =	simm.s32 $0x1200  }
0x28: {  	[tilespmem:s20], [sflag:$0x1] =	stream.indirect_vreg.gather [hbm4b:s2+s3], $0x80, v3, vm0, $0xb8;
	[tilespmem:$0x18200] =	vst v63  }
0x29: {  	s1 =	simm.s32 $0x1A00  }
0x2a: {  	[tilespmem:s1], [sflag:$0x1] =	stream.indirect_vreg.gather [hbm4b:s4+s3], $0x80, v3, vm0, $0xb8;
	[tilespmem:$0x18200] =	vst v63  }
0x2b: {  	v3 =	vld [tilespmem:$0x10];
	_ =	sdelay $0x4  }
0x2c: {  	v33 =	vshll.u32 v3, $0x2  }
0x2d: {  	v3 =	vand.u32 $0x7, v3;
	v4 =	vand.u32 $0xFFFFFFE0, v33  }
0x2e: {  	v3 =	vor.u32 v3, v4  }
0x2f: {  	v4 =	vperm.xlane v3, v0;
	_ =	sdelay $0x1  }
0x30: {  	v4 =	vadd.s32 v1, v4;
	_ =	sdelay $0x1  }
0x31: {  	v3 =	vperm.xlane v3, v2;
	_ =	sdelay $0x1  }
0x32: {  	s20 =	simm.s32 $0x2200;
	v3 =	vadd.s32 v1, v3  }
0x33: {  	[tilespmem:s20], [sflag:$0x1] =	stream.indirect_vreg.gather [hbm4b:s2+s3], $0x80, v4, vm0, $0xb8;
	[tilespmem:$0x18200] =	vst v63  }
0x34: {  	s1 =	simm.s32 $0x2A00  }
0x35: {  	[tilespmem:s1], [sflag:$0x1] =	stream.indirect_vreg.gather [hbm4b:s4+s3], $0x80, v4, vm0, $0xb8;
	[tilespmem:$0x18200] =	vst v63  }
0x36: {  	s20 =	simm.s32 $0x3200  }
0x37: {  	[tilespmem:s20], [sflag:$0x1] =	stream.indirect_vreg.gather [hbm4b:s2+s3], $0x80, v3, vm0, $0xb8;
	[tilespmem:$0x18200] =	vst v63  }
0x38: {  	s1 =	simm.s32 $0x3A00  }
0x39: {  	[tilespmem:s1], [sflag:$0x1] =	stream.indirect_vreg.gather [hbm4b:s4+s3], $0x80, v3, vm0, $0xb8;
	[tilespmem:$0x18200] =	vst v63  }
0x3a: {  	v3 =	vld [tilespmem:$0x20];
	_ =	sdelay $0x4  }
0x3b: {  	v34 =	vshll.u32 v3, $0x2  }
0x3c: {  	v3 =	vand.u32 $0x7, v3;
	v4 =	vand.u32 $0xFFFFFFE0, v34  }
0x3d: {  	v3 =	vor.u32 v3, v4  }
0x3e: {  	v4 =	vperm.xlane v3, v0;
	_ =	sdelay $0x1  }
0x3f: {  	v4 =	vadd.s32 v1, v4;
	_ =	sdelay $0x1  }
0x40: {  	v3 =	vperm.xlane v3, v2;
	_ =	sdelay $0x1  }
0x41: {  	v3 =	vadd.s32 v1, v3  }
0x42: {  	[tilespmem:s30], [sflag:$0x1] =	stream.indirect_vreg.gather [hbm4b:s2+s3], $0x80, v4, vm0, $0xb8;
	[tilespmem:$0x18200] =	vst v63  }
0x43: {  	_ = 	snop  }
0x44: {  	[tilespmem:s31], [sflag:$0x1] =	stream.indirect_vreg.gather [hbm4b:s4+s3], $0x80, v4, vm0, $0xb8;
	[tilespmem:$0x18200] =	vst v63  }
0x45: {  	s20 =	simm.s32 $0x5200  }
0x46: {  	[tilespmem:s20], [sflag:$0x1] =	stream.indirect_vreg.gather [hbm4b:s2+s3], $0x80, v3, vm0, $0xb8;
	[tilespmem:$0x18200] =	vst v63  }
0x47: {  	s1 =	simm.s32 $0x5A00  }
0x48: {  	[tilespmem:s1], [sflag:$0x1] =	stream.indirect_vreg.gather [hbm4b:s4+s3], $0x80, v3, vm0, $0xb8;
	[tilespmem:$0x18200] =	vst v63  }
0x49: {  	v3 =	vld [tilespmem:$0x30];
	_ =	sdelay $0x4  }
0x4a: {  	v35 =	vshll.u32 v3, $0x2  }
0x4b: {  	v3 =	vand.u32 $0x7, v3;
	v4 =	vand.u32 $0xFFFFFFE0, v35  }
0x4c: {  	v3 =	vor.u32 v3, v4  }
0x4d: {  	v4 =	vperm.xlane v3, v0;
	_ =	sdelay $0x1  }
0x4e: {  	v4 =	vadd.s32 v1, v4;
	_ =	sdelay $0x1  }
0x4f: {  	v3 =	vperm.xlane v3, v2;
	_ =	sdelay $0x1  }
0x50: {  	s20 =	simm.s32 $0x6200;
	v3 =	vadd.s32 v1, v3  }
0x51: {  	[tilespmem:s20], [sflag:$0x1] =	stream.indirect_vreg.gather [hbm4b:s2+s3], $0x80, v4, vm0, $0xb8;
	[tilespmem:$0x18200] =	vst v63  }
0x52: {  	s1 =	simm.s32 $0x6A00  }
0x53: {  	[tilespmem:s1], [sflag:$0x1] =	stream.indirect_vreg.gather [hbm4b:s4+s3], $0x80, v4, vm0, $0xb8;
	[tilespmem:$0x18200] =	vst v63  }
0x54: {  	s20 =	simm.s32 $0x7200  }
0x55: {  	[tilespmem:s20], [sflag:$0x1] =	stream.indirect_vreg.gather [hbm4b:s2+s3], $0x80, v3, vm0, $0xb8;
	[tilespmem:$0x18200] =	vst v63  }
0x56: {  	s1 =	simm.s32 $0x7A00  }
0x57: {  	[tilespmem:s1], [sflag:$0x1] =	stream.indirect_vreg.gather [hbm4b:s4+s3], $0x80, v3, vm0, $0xb8;
	[tilespmem:$0x18200] =	vst v63  }
0x58: {  	v3 =	vld [tilespmem:$0x40];
	_ =	sdelay $0x4  }
0x59: {  	v36 =	vshll.u32 v3, $0x2  }
0x5a: {  	v3 =	vand.u32 $0x7, v3;
	v4 =	vand.u32 $0xFFFFFFE0, v36  }
0x5b: {  	v3 =	vor.u32 v3, v4  }
0x5c: {  	v4 =	vperm.xlane v3, v0;
	_ =	sdelay $0x1  }
0x5d: {  	v4 =	vadd.s32 v1, v4;
	_ =	sdelay $0x1  }
0x5e: {  	v3 =	vperm.xlane v3, v2;
	_ =	sdelay $0x1  }
0x5f: {  	s0 =	simm.s32 $0x8200;
	v3 =	vadd.s32 v1, v3  }
0x60: {  	[tilespmem:s0], [sflag:$0x2] =	stream.indirect_vreg.gather [hbm4b:s2+s3], $0x80, v4, vm0, $0xb8;
	[tilespmem:$0x18200] =	vst v63  }
0x61: {  	s1 =	simm.s32 $0x8A00  }
0x62: {  	[tilespmem:s1], [sflag:$0x2] =	stream.indirect_vreg.gather [hbm4b:s4+s3], $0x80, v4, vm0, $0xb8;
	[tilespmem:$0x18200] =	vst v63  }
0x63: {  	s20 =	simm.s32 $0x9200  }
0x64: {  	[tilespmem:s20], [sflag:$0x2] =	stream.indirect_vreg.gather [hbm4b:s2+s3], $0x80, v3, vm0, $0xb8;
	[tilespmem:$0x18200] =	vst v63  }
0x65: {  	s20 =	simm.s32 $0x9A00  }
0x66: {  	[tilespmem:s20], [sflag:$0x2] =	stream.indirect_vreg.gather [hbm4b:s4+s3], $0x80, v3, vm0, $0xb8;
	[tilespmem:$0x18200] =	vst v63  }
0x67: {  	v3 =	vld [tilespmem:$0x50];
	_ =	sdelay $0x4  }
0x68: {  	v37 =	vshll.u32 v3, $0x2  }
0x69: {  	v3 =	vand.u32 $0x7, v3;
	v4 =	vand.u32 $0xFFFFFFE0, v37  }
0x6a: {  	v3 =	vor.u32 v3, v4  }
0x6b: {  	v4 =	vperm.xlane v3, v0;
	_ =	sdelay $0x1  }
0x6c: {  	v4 =	vadd.s32 v1, v4;
	_ =	sdelay $0x1  }
0x6d: {  	v3 =	vperm.xlane v3, v2;
	_ =	sdelay $0x1  }
0x6e: {  	s20 =	simm.s32 $0xA200;
	v3 =	vadd.s32 v1, v3  }
0x6f: {  	[tilespmem:s20], [sflag:$0x2] =	stream.indirect_vreg.gather [hbm4b:s2+s3], $0x80, v4, vm0, $0xb8;
	[tilespmem:$0x18200] =	vst v63  }
0x70: {  	s20 =	simm.s32 $0xAA00  }
0x71: {  	[tilespmem:s20], [sflag:$0x2] =	stream.indirect_vreg.gather [hbm4b:s4+s3], $0x80, v4, vm0, $0xb8;
	[tilespmem:$0x18200] =	vst v63  }
0x72: {  	s20 =	simm.s32 $0xB200  }
0x73: {  	[tilespmem:s20], [sflag:$0x2] =	stream.indirect_vreg.gather [hbm4b:s2+s3], $0x80, v3, vm0, $0xb8;
	[tilespmem:$0x18200] =	vst v63  }
0x74: {  	s20 =	simm.s32 $0xBA00  }
0x75: {  	[tilespmem:s20], [sflag:$0x2] =	stream.indirect_vreg.gather [hbm4b:s4+s3], $0x80, v3, vm0, $0xb8;
	[tilespmem:$0x18200] =	vst v63  }
0x76: {  	v3 =	vld [tilespmem:$0x60];
	_ =	sdelay $0x4  }
0x77: {  	v38 =	vshll.u32 v3, $0x2  }
0x78: {  	v3 =	vand.u32 $0x7, v3;
	v4 =	vand.u32 $0xFFFFFFE0, v38  }
0x79: {  	v3 =	vor.u32 v3, v4  }
0x7a: {  	v4 =	vperm.xlane v3, v0;
	_ =	sdelay $0x1  }
0x7b: {  	v4 =	vadd.s32 v1, v4;
	_ =	sdelay $0x1  }
0x7c: {  	v3 =	vperm.xlane v3, v2;
	_ =	sdelay $0x1  }
0x7d: {  	s20 =	simm.s32 $0xC200;
	v3 =	vadd.s32 v1, v3  }
0x7e: {  	[tilespmem:s20], [sflag:$0x2] =	stream.indirect_vreg.gather [hbm4b:s2+s3], $0x80, v4, vm0, $0xb8;
	[tilespmem:$0x18200] =	vst v63  }
0x7f: {  	s20 =	simm.s32 $0xCA00  }
0x80: {  	[tilespmem:s20], [sflag:$0x2] =	stream.indirect_vreg.gather [hbm4b:s4+s3], $0x80, v4, vm0, $0xb8;
	[tilespmem:$0x18200] =	vst v63  }
0x81: {  	s20 =	simm.s32 $0xD200  }
0x82: {  	[tilespmem:s20], [sflag:$0x2] =	stream.indirect_vreg.gather [hbm4b:s2+s3], $0x80, v3, vm0, $0xb8;
	[tilespmem:$0x18200] =	vst v63  }
0x83: {  	s20 =	simm.s32 $0xDA00  }
0x84: {  	[tilespmem:s20], [sflag:$0x2] =	stream.indirect_vreg.gather [hbm4b:s4+s3], $0x80, v3, vm0, $0xb8;
	[tilespmem:$0x18200] =	vst v63  }
0x85: {  	v3 =	vld [tilespmem:$0x70];
	_ =	sdelay $0x4  }
0x86: {  	v39 =	vshll.u32 v3, $0x2  }
0x87: {  	v3 =	vand.u32 $0x7, v3;
	v4 =	vand.u32 $0xFFFFFFE0, v39  }
0x88: {  	v3 =	vor.u32 v3, v4  }
0x89: {  	v4 =	vperm.xlane v3, v0;
	_ =	sdelay $0x1  }
0x8a: {  	v4 =	vadd.s32 v1, v4;
	_ =	sdelay $0x1  }
0x8b: {  	v3 =	vperm.xlane v3, v2;
	_ =	sdelay $0x1  }
0x8c: {  	s20 =	simm.s32 $0xE200;
	v3 =	vadd.s32 v1, v3  }
0x8d: {  	[tilespmem:s20], [sflag:$0x2] =	stream.indirect_vreg.gather [hbm4b:s2+s3], $0x80, v4, vm0, $0xb8;
	[tilespmem:$0x18200] =	vst v63  }
0x8e: {  	s20 =	simm.s32 $0xEA00  }
0x8f: {  	[tilespmem:s20], [sflag:$0x2] =	stream.indirect_vreg.gather [hbm4b:s4+s3], $0x80, v4, vm0, $0xb8;
	[tilespmem:$0x18200] =	vst v63  }
0x90: {  	s20 =	simm.s32 $0xF200  }
0x91: {  	[tilespmem:s20], [sflag:$0x2] =	stream.indirect_vreg.gather [hbm4b:s2+s3], $0x80, v3, vm0, $0xb8;
	[tilespmem:$0x18200] =	vst v63  }
0x92: {  	s20 =	simm.s32 $0xFA00  }
0x93: {  	[tilespmem:s20], [sflag:$0x2] =	stream.indirect_vreg.gather [hbm4b:s4+s3], $0x80, v3, vm0, $0xb8;
	[tilespmem:$0x18200] =	vst v63  }
0x94: {  	v3 =	vld [tilespmem:$0x80];
	_ =	sdelay $0x4  }
0x95: {  	v40 =	vshll.u32 v3, $0x2  }
0x96: {  	v3 =	vand.u32 $0x7, v3;
	v4 =	vand.u32 $0xFFFFFFE0, v40  }
0x97: {  	v3 =	vor.u32 v3, v4  }
0x98: {  	v4 =	vperm.xlane v3, v0;
	_ =	sdelay $0x1  }
0x99: {  	v4 =	vadd.s32 v1, v4;
	_ =	sdelay $0x1  }
0x9a: {  	v3 =	vperm.xlane v3, v2;
	_ =	sdelay $0x1  }
0x9b: {  	v3 =	vadd.s32 v1, v3  }
0x9c: {  	[tilespmem:s7], [sflag:$0x3] =	stream.indirect_vreg.gather [hbm4b:s2+s3], $0x80, v4, vm0, $0xb8;
	[tilespmem:$0x18200] =	vst v63  }
0x9d: {  	_ = 	snop  }
0x9e: {  	[tilespmem:s11], [sflag:$0x3] =	stream.indirect_vreg.gather [hbm4b:s4+s3], $0x80, v4, vm0, $0xb8;
	[tilespmem:$0x18200] =	vst v63  }
0x9f: {  	_ = 	snop  }
0xa0: {  	[tilespmem:s12], [sflag:$0x3] =	stream.indirect_vreg.gather [hbm4b:s2+s3], $0x80, v3, vm0, $0xb8;
	[tilespmem:$0x18200] =	vst v63  }
0xa1: {  	_ = 	snop  }
0xa2: {  	[tilespmem:s13], [sflag:$0x3] =	stream.indirect_vreg.gather [hbm4b:s4+s3], $0x80, v3, vm0, $0xb8;
	[tilespmem:$0x18200] =	vst v63  }
0xa3: {  	v3 =	vld [tilespmem:$0x90];
	_ =	sdelay $0x4  }
0xa4: {  	v41 =	vshll.u32 v3, $0x2  }
0xa5: {  	v3 =	vand.u32 $0x7, v3;
	v4 =	vand.u32 $0xFFFFFFE0, v41  }
0xa6: {  	v3 =	vor.u32 v3, v4  }
0xa7: {  	v4 =	vperm.xlane v3, v0;
	_ =	sdelay $0x1  }
0xa8: {  	v4 =	vadd.s32 v1, v4;
	_ =	sdelay $0x1  }
0xa9: {  	v3 =	vperm.xlane v3, v2;
	_ =	sdelay $0x1  }
0xaa: {  	s1 =	simm.s32 $0x12200;
	v3 =	vadd.s32 v1, v3  }
0xab: {  	[tilespmem:s1], [sflag:$0x3] =	stream.indirect_vreg.gather [hbm4b:s2+s3], $0x80, v4, vm0, $0xb8;
	[tilespmem:$0x18200] =	vst v63  }
0xac: {  	_ = 	snop  }
0xad: {  	[tilespmem:s6], [sflag:$0x3] =	stream.indirect_vreg.gather [hbm4b:s4+s3], $0x80, v4, vm0, $0xb8;
	[tilespmem:$0x18200] =	vst v63  }
0xae: {  	_ = 	snop  }
0xaf: {  	[tilespmem:s18], [sflag:$0x3] =	stream.indirect_vreg.gather [hbm4b:s2+s3], $0x80, v3, vm0, $0xb8;
	[tilespmem:$0x18200] =	vst v63  }
0xb0: {  	_ = 	snop  }
0xb1: {  	[tilespmem:s8], [sflag:$0x3] =	stream.indirect_vreg.gather [hbm4b:s4+s3], $0x80, v3, vm0, $0xb8;
	[tilespmem:$0x18200] =	vst v63  }
0xb2: {  	v3 =	vld [tilespmem:$0xA0];
	_ =	sdelay $0x4  }
0xb3: {  	v42 =	vshll.u32 v3, $0x2  }
0xb4: {  	v3 =	vand.u32 $0x7, v3;
	v4 =	vand.u32 $0xFFFFFFE0, v42  }
0xb5: {  	v3 =	vor.u32 v3, v4  }
0xb6: {  	v4 =	vperm.xlane v3, v0;
	_ =	sdelay $0x1  }
0xb7: {  	v4 =	vadd.s32 v1, v4;
	_ =	sdelay $0x1  }
0xb8: {  	v3 =	vperm.xlane v3, v2;
	_ =	sdelay $0x1  }
0xb9: {  	v3 =	vadd.s32 v1, v3  }
0xba: {  	[tilespmem:s9], [sflag:$0x3] =	stream.indirect_vreg.gather [hbm4b:s2+s3], $0x80, v4, vm0, $0xb8;
	[tilespmem:$0x18200] =	vst v63  }
0xbb: {  	_ = 	snop  }
0xbc: {  	[tilespmem:s10], [sflag:$0x3] =	stream.indirect_vreg.gather [hbm4b:s4+s3], $0x80, v4, vm0, $0xb8;
	[tilespmem:$0x18200] =	vst v63  }
0xbd: {  	_ = 	snop  }
0xbe: {  	[tilespmem:s21], [sflag:$0x3] =	stream.indirect_vreg.gather [hbm4b:s2+s3], $0x80, v3, vm0, $0xb8;
	[tilespmem:$0x18200] =	vst v63  }
0xbf: {  	_ = 	snop  }
0xc0: {  	[tilespmem:s22], [sflag:$0x3] =	stream.indirect_vreg.gather [hbm4b:s4+s3], $0x80, v3, vm0, $0xb8;
	[tilespmem:$0x18200] =	vst v63  }
0xc1: {  	v3 =	vld [tilespmem:$0xB0];
	_ =	sdelay $0x4  }
0xc2: {  	v43 =	vshll.u32 v3, $0x2  }
0xc3: {  	v3 =	vand.u32 $0x7, v3;
	v4 =	vand.u32 $0xFFFFFFE0, v43  }
0xc4: {  	v3 =	vor.u32 v3, v4  }
0xc5: {  	v4 =	vperm.xlane v3, v0;
	_ =	sdelay $0x1  }
0xc6: {  	v4 =	vadd.s32 v1, v4;
	_ =	sdelay $0x1  }
0xc7: {  	v3 =	vperm.xlane v3, v2;
	_ =	sdelay $0x1  }
0xc8: {  	v3 =	vadd.s32 v1, v3  }
0xc9: {  	[tilespmem:s24], [sflag:$0x3] =	stream.indirect_vreg.gather [hbm4b:s2+s3], $0x80, v4, vm0, $0xb8;
	[tilespmem:$0x18200] =	vst v63  }
0xca: {  	_ = 	snop  }
0xcb: {  	[tilespmem:s25], [sflag:$0x3] =	stream.indirect_vreg.gather [hbm4b:s4+s3], $0x80, v4, vm0, $0xb8;
	[tilespmem:$0x18200] =	vst v63  }
0xcc: {  	_ = 	snop  }
0xcd: {  	[tilespmem:s26], [sflag:$0x3] =	stream.indirect_vreg.gather [hbm4b:s2+s3], $0x80, v3, vm0, $0xb8;
	[tilespmem:$0x18200] =	vst v63  }
0xce: {  	_ = 	snop  }
0xcf: {  	[tilespmem:s28], [sflag:$0x3] =	stream.indirect_vreg.gather [hbm4b:s4+s3], $0x80, v3, vm0, $0xb8;
	[tilespmem:$0x18200] =	vst v63  }
0xd0: {  	_ =	swait.ge [sflag:s14], $0x8000  }
0xd1: {  	[sflag:s14] =	ssyncset.done $0x0  }
0xd2: {  	s20 =	rddreg [dreg:$0x5];
	[sflag:s14] =	ssyncadd.s32 $0xFFFF8000  }
0xd3: {  	[hbm4b:s20+s3] =	stream.linear.scatter [tilespmem:s23], [sflag:$0x4], $0x8000, $0x38;
	[tilespmem:$0x18200] =	vst v63  }
0xd4: {  	_ =	swait.ge [sflag:s15], $0x8000  }
0xd5: {  	[sflag:s15] =	ssyncset.done $0x0  }
0xd6: {  	[sflag:s15] =	ssyncadd.s32 $0xFFFF8000  }
0xd7: {  	v3 =	vld [tilespmem:$0xC0];
	_ =	sdelay $0x4  }
0xd8: {  	v44 =	vshll.u32 v3, $0x2  }
0xd9: {  	v3 =	vand.u32 $0x7, v3;
	v4 =	vand.u32 $0xFFFFFFE0, v44  }
0xda: {  	v3 =	vor.u32 v3, v4  }
0xdb: {  	v4 =	vperm.xlane v3, v0;
	_ =	sdelay $0x1  }
0xdc: {  	v4 =	vadd.s32 v1, v4;
	_ =	sdelay $0x1  }
0xdd: {  	v3 =	vperm.xlane v3, v2;
	_ =	sdelay $0x1  }
0xde: {  	v3 =	vadd.s32 v1, v3  }
0xdf: {  	[tilespmem:s23], [sflag:$0x1] =	stream.indirect_vreg.gather [hbm4b:s2+s3], $0x80, v4, vm0, $0xb8;
	[tilespmem:$0x18200] =	vst v63  }
0xe0: {  	s20 =	simm.s32 $0xA00  }
0xe1: {  	[tilespmem:s20], [sflag:$0x1] =	stream.indirect_vreg.gather [hbm4b:s4+s3], $0x80, v4, vm0, $0xb8;
	[tilespmem:$0x18200] =	vst v63  }
0xe2: {  	s20 =	simm.s32 $0x1200  }
0xe3: {  	[tilespmem:s20], [sflag:$0x1] =	stream.indirect_vreg.gather [hbm4b:s2+s3], $0x80, v3, vm0, $0xb8;
	[tilespmem:$0x18200] =	vst v63  }
0xe4: {  	s20 =	simm.s32 $0x1A00  }
0xe5: {  	[tilespmem:s20], [sflag:$0x1] =	stream.indirect_vreg.gather [hbm4b:s4+s3], $0x80, v3, vm0, $0xb8;
	[tilespmem:$0x18200] =	vst v63  }
0xe6: {  	v3 =	vld [tilespmem:$0xD0];
	_ =	sdelay $0x4  }
0xe7: {  	v45 =	vshll.u32 v3, $0x2  }
0xe8: {  	v3 =	vand.u32 $0x7, v3;
	v4 =	vand.u32 $0xFFFFFFE0, v45  }
0xe9: {  	v3 =	vor.u32 v3, v4  }
0xea: {  	v4 =	vperm.xlane v3, v0;
	_ =	sdelay $0x1  }
0xeb: {  	v4 =	vadd.s32 v1, v4;
	_ =	sdelay $0x1  }
0xec: {  	v3 =	vperm.xlane v3, v2;
	_ =	sdelay $0x1  }
0xed: {  	s20 =	simm.s32 $0x2200;
	v3 =	vadd.s32 v1, v3  }
0xee: {  	[tilespmem:s20], [sflag:$0x1] =	stream.indirect_vreg.gather [hbm4b:s2+s3], $0x80, v4, vm0, $0xb8;
	[tilespmem:$0x18200] =	vst v63  }
0xef: {  	s20 =	simm.s32 $0x2A00  }
0xf0: {  	[tilespmem:s20], [sflag:$0x1] =	stream.indirect_vreg.gather [hbm4b:s4+s3], $0x80, v4, vm0, $0xb8;
	[tilespmem:$0x18200] =	vst v63  }
0xf1: {  	s20 =	simm.s32 $0x3200  }
0xf2: {  	[tilespmem:s20], [sflag:$0x1] =	stream.indirect_vreg.gather [hbm4b:s2+s3], $0x80, v3, vm0, $0xb8;
	[tilespmem:$0x18200] =	vst v63  }
0xf3: {  	s20 =	simm.s32 $0x3A00  }
0xf4: {  	[tilespmem:s20], [sflag:$0x1] =	stream.indirect_vreg.gather [hbm4b:s4+s3], $0x80, v3, vm0, $0xb8;
	[tilespmem:$0x18200] =	vst v63  }
0xf5: {  	v3 =	vld [tilespmem:$0xE0];
	_ =	sdelay $0x4  }
0xf6: {  	v46 =	vshll.u32 v3, $0x2  }
0xf7: {  	v3 =	vand.u32 $0x7, v3;
	v4 =	vand.u32 $0xFFFFFFE0, v46  }
0xf8: {  	v3 =	vor.u32 v3, v4  }
0xf9: {  	v4 =	vperm.xlane v3, v0;
	_ =	sdelay $0x1  }
0xfa: {  	v4 =	vadd.s32 v1, v4;
	_ =	sdelay $0x1  }
0xfb: {  	v3 =	vperm.xlane v3, v2;
	_ =	sdelay $0x1  }
0xfc: {  	v3 =	vadd.s32 v1, v3  }
0xfd: {  	[tilespmem:s30], [sflag:$0x1] =	stream.indirect_vreg.gather [hbm4b:s2+s3], $0x80, v4, vm0, $0xb8;
	[tilespmem:$0x18200] =	vst v63  }
0xfe: {  	_ = 	snop  }
0xff: {  	[tilespmem:s31], [sflag:$0x1] =	stream.indirect_vreg.gather [hbm4b:s4+s3], $0x80, v4, vm0, $0xb8;
	[tilespmem:$0x18200] =	vst v63  }
0x100: {  	s20 =	simm.s32 $0x5200  }
0x101: {  	[tilespmem:s20], [sflag:$0x1] =	stream.indirect_vreg.gather [hbm4b:s2+s3], $0x80, v3, vm0, $0xb8;
	[tilespmem:$0x18200] =	vst v63  }
0x102: {  	s20 =	simm.s32 $0x5A00  }
0x103: {  	[tilespmem:s20], [sflag:$0x1] =	stream.indirect_vreg.gather [hbm4b:s4+s3], $0x80, v3, vm0, $0xb8;
	[tilespmem:$0x18200] =	vst v63  }
0x104: {  	v3 =	vld [tilespmem:$0xF0];
	_ =	sdelay $0x4  }
0x105: {  	v47 =	vshll.u32 v3, $0x2  }
0x106: {  	v3 =	vand.u32 $0x7, v3;
	v4 =	vand.u32 $0xFFFFFFE0, v47  }
0x107: {  	v3 =	vor.u32 v3, v4  }
0x108: {  	v4 =	vperm.xlane v3, v0;
	_ =	sdelay $0x1  }
0x109: {  	v4 =	vadd.s32 v1, v4;
	_ =	sdelay $0x1  }
0x10a: {  	v3 =	vperm.xlane v3, v2;
	_ =	sdelay $0x1  }
0x10b: {  	s20 =	simm.s32 $0x6200;
	v3 =	vadd.s32 v1, v3  }
0x10c: {  	[tilespmem:s20], [sflag:$0x1] =	stream.indirect_vreg.gather [hbm4b:s2+s3], $0x80, v4, vm0, $0xb8;
	[tilespmem:$0x18200] =	vst v63  }
0x10d: {  	s20 =	simm.s32 $0x6A00  }
0x10e: {  	[tilespmem:s20], [sflag:$0x1] =	stream.indirect_vreg.gather [hbm4b:s4+s3], $0x80, v4, vm0, $0xb8;
	[tilespmem:$0x18200] =	vst v63  }
0x10f: {  	s20 =	simm.s32 $0x7200  }
0x110: {  	[tilespmem:s20], [sflag:$0x1] =	stream.indirect_vreg.gather [hbm4b:s2+s3], $0x80, v3, vm0, $0xb8;
	[tilespmem:$0x18200] =	vst v63  }
0x111: {  	s20 =	simm.s32 $0x7A00  }
0x112: {  	[tilespmem:s20], [sflag:$0x1] =	stream.indirect_vreg.gather [hbm4b:s4+s3], $0x80, v3, vm0, $0xb8;
	[tilespmem:$0x18200] =	vst v63  }
0x113: {  	_ =	swait.ge [sflag:s16], $0x8000  }
0x114: {  	[sflag:s16] =	ssyncset.done $0x0  }
0x115: {  	s20 =	rddreg [dreg:$0x6];
	[sflag:s16] =	ssyncadd.s32 $0xFFFF8000  }
0x116: {  	[hbm4b:s20+s3] =	stream.linear.scatter [tilespmem:s0], [sflag:$0x5], $0x8000, $0x38;
	[tilespmem:$0x18200] =	vst v63  }
0x117: {  	_ =	swait.ge [sflag:s17], $0x8000  }
0x118: {  	[sflag:s17] =	ssyncset.done $0x0  }
0x119: {  	[sflag:s17] =	ssyncadd.s32 $0xFFFF8000  }
0x11a: {  	v3 =	vld [tilespmem:$0x100];
	_ =	sdelay $0x4  }
0x11b: {  	v48 =	vshll.u32 v3, $0x2  }
0x11c: {  	v3 =	vand.u32 $0x7, v3;
	v4 =	vand.u32 $0xFFFFFFE0, v48  }
0x11d: {  	v3 =	vor.u32 v3, v4  }
0x11e: {  	v4 =	vperm.xlane v3, v0;
	_ =	sdelay $0x1  }
0x11f: {  	v4 =	vadd.s32 v1, v4;
	_ =	sdelay $0x1  }
0x120: {  	v3 =	vperm.xlane v3, v2;
	_ =	sdelay $0x1  }
0x121: {  	v3 =	vadd.s32 v1, v3  }
0x122: {  	[tilespmem:s0], [sflag:$0x2] =	stream.indirect_vreg.gather [hbm4b:s2+s3], $0x80, v4, vm0, $0xb8;
	[tilespmem:$0x18200] =	vst v63  }
0x123: {  	s20 =	simm.s32 $0x8A00  }
0x124: {  	[tilespmem:s20], [sflag:$0x2] =	stream.indirect_vreg.gather [hbm4b:s4+s3], $0x80, v4, vm0, $0xb8;
	[tilespmem:$0x18200] =	vst v63  }
0x125: {  	s20 =	simm.s32 $0x9200  }
0x126: {  	[tilespmem:s20], [sflag:$0x2] =	stream.indirect_vreg.gather [hbm4b:s2+s3], $0x80, v3, vm0, $0xb8;
	[tilespmem:$0x18200] =	vst v63  }
0x127: {  	s20 =	simm.s32 $0x9A00  }
0x128: {  	[tilespmem:s20], [sflag:$0x2] =	stream.indirect_vreg.gather [hbm4b:s4+s3], $0x80, v3, vm0, $0xb8;
	[tilespmem:$0x18200] =	vst v63  }
0x129: {  	v3 =	vld [tilespmem:$0x110];
	_ =	sdelay $0x4  }
0x12a: {  	v49 =	vshll.u32 v3, $0x2  }
0x12b: {  	v3 =	vand.u32 $0x7, v3;
	v4 =	vand.u32 $0xFFFFFFE0, v49  }
0x12c: {  	v3 =	vor.u32 v3, v4  }
0x12d: {  	v4 =	vperm.xlane v3, v0;
	_ =	sdelay $0x1  }
0x12e: {  	v4 =	vadd.s32 v1, v4;
	_ =	sdelay $0x1  }
0x12f: {  	v3 =	vperm.xlane v3, v2;
	_ =	sdelay $0x1  }
0x130: {  	s20 =	simm.s32 $0xA200;
	v3 =	vadd.s32 v1, v3  }
0x131: {  	[tilespmem:s20], [sflag:$0x2] =	stream.indirect_vreg.gather [hbm4b:s2+s3], $0x80, v4, vm0, $0xb8;
	[tilespmem:$0x18200] =	vst v63  }
0x132: {  	s20 =	simm.s32 $0xAA00  }
0x133: {  	[tilespmem:s20], [sflag:$0x2] =	stream.indirect_vreg.gather [hbm4b:s4+s3], $0x80, v4, vm0, $0xb8;
	[tilespmem:$0x18200] =	vst v63  }
0x134: {  	s20 =	simm.s32 $0xB200  }
0x135: {  	[tilespmem:s20], [sflag:$0x2] =	stream.indirect_vreg.gather [hbm4b:s2+s3], $0x80, v3, vm0, $0xb8;
	[tilespmem:$0x18200] =	vst v63  }
0x136: {  	s20 =	simm.s32 $0xBA00  }
0x137: {  	[tilespmem:s20], [sflag:$0x2] =	stream.indirect_vreg.gather [hbm4b:s4+s3], $0x80, v3, vm0, $0xb8;
	[tilespmem:$0x18200] =	vst v63  }
0x138: {  	v3 =	vld [tilespmem:$0x120];
	_ =	sdelay $0x4  }
0x139: {  	v50 =	vshll.u32 v3, $0x2  }
0x13a: {  	v3 =	vand.u32 $0x7, v3;
	v4 =	vand.u32 $0xFFFFFFE0, v50  }
0x13b: {  	v3 =	vor.u32 v3, v4  }
0x13c: {  	v4 =	vperm.xlane v3, v0;
	_ =	sdelay $0x1  }
0x13d: {  	v4 =	vadd.s32 v1, v4;
	_ =	sdelay $0x1  }
0x13e: {  	v3 =	vperm.xlane v3, v2;
	_ =	sdelay $0x1  }
0x13f: {  	s20 =	simm.s32 $0xC200;
	v3 =	vadd.s32 v1, v3  }
0x140: {  	[tilespmem:s20], [sflag:$0x2] =	stream.indirect_vreg.gather [hbm4b:s2+s3], $0x80, v4, vm0, $0xb8;
	[tilespmem:$0x18200] =	vst v63  }
0x141: {  	s20 =	simm.s32 $0xCA00  }
0x142: {  	[tilespmem:s20], [sflag:$0x2] =	stream.indirect_vreg.gather [hbm4b:s4+s3], $0x80, v4, vm0, $0xb8;
	[tilespmem:$0x18200] =	vst v63  }
0x143: {  	s20 =	simm.s32 $0xD200  }
0x144: {  	[tilespmem:s20], [sflag:$0x2] =	stream.indirect_vreg.gather [hbm4b:s2+s3], $0x80, v3, vm0, $0xb8;
	[tilespmem:$0x18200] =	vst v63  }
0x145: {  	s20 =	simm.s32 $0xDA00  }
0x146: {  	[tilespmem:s20], [sflag:$0x2] =	stream.indirect_vreg.gather [hbm4b:s4+s3], $0x80, v3, vm0, $0xb8;
	[tilespmem:$0x18200] =	vst v63  }
0x147: {  	v3 =	vld [tilespmem:$0x130];
	_ =	sdelay $0x4  }
0x148: {  	v51 =	vshll.u32 v3, $0x2  }
0x149: {  	v3 =	vand.u32 $0x7, v3;
	v4 =	vand.u32 $0xFFFFFFE0, v51  }
0x14a: {  	v3 =	vor.u32 v3, v4  }
0x14b: {  	v4 =	vperm.xlane v3, v0;
	_ =	sdelay $0x1  }
0x14c: {  	v4 =	vadd.s32 v1, v4;
	_ =	sdelay $0x1  }
0x14d: {  	v3 =	vperm.xlane v3, v2;
	_ =	sdelay $0x1  }
0x14e: {  	s20 =	simm.s32 $0xE200;
	v3 =	vadd.s32 v1, v3  }
0x14f: {  	[tilespmem:s20], [sflag:$0x2] =	stream.indirect_vreg.gather [hbm4b:s2+s3], $0x80, v4, vm0, $0xb8;
	[tilespmem:$0x18200] =	vst v63  }
0x150: {  	s20 =	simm.s32 $0xEA00  }
0x151: {  	[tilespmem:s20], [sflag:$0x2] =	stream.indirect_vreg.gather [hbm4b:s4+s3], $0x80, v4, vm0, $0xb8;
	[tilespmem:$0x18200] =	vst v63  }
0x152: {  	s20 =	simm.s32 $0xF200  }
0x153: {  	[tilespmem:s20], [sflag:$0x2] =	stream.indirect_vreg.gather [hbm4b:s2+s3], $0x80, v3, vm0, $0xb8;
	[tilespmem:$0x18200] =	vst v63  }
0x154: {  	s20 =	simm.s32 $0xFA00  }
0x155: {  	[tilespmem:s20], [sflag:$0x2] =	stream.indirect_vreg.gather [hbm4b:s4+s3], $0x80, v3, vm0, $0xb8;
	[tilespmem:$0x18200] =	vst v63  }
0x156: {  	_ =	swait.ge [sflag:s29], $0x8000  }
0x157: {  	[sflag:s29] =	ssyncset.done $0x0  }
0x158: {  	s20 =	rddreg [dreg:$0x7];
	[sflag:s29] =	ssyncadd.s32 $0xFFFF8000  }
0x159: {  	[hbm4b:s20+s3] =	stream.linear.scatter [tilespmem:s7], [sflag:$0x6], $0x8000, $0x38;
	[tilespmem:$0x18200] =	vst v63  }
0x15a: {  	_ =	swait.ge [sflag:s19], $0x8000  }
0x15b: {  	[sflag:s19] =	ssyncset.done $0x0  }
0x15c: {  	[sflag:s19] =	ssyncadd.s32 $0xFFFF8000  }
0x15d: {  	v3 =	vld [tilespmem:$0x140];
	_ =	sdelay $0x4  }
0x15e: {  	v52 =	vshll.u32 v3, $0x2  }
0x15f: {  	v3 =	vand.u32 $0x7, v3;
	v4 =	vand.u32 $0xFFFFFFE0, v52  }
0x160: {  	v3 =	vor.u32 v3, v4  }
0x161: {  	v4 =	vperm.xlane v3, v0;
	_ =	sdelay $0x1  }
0x162: {  	v4 =	vadd.s32 v1, v4;
	_ =	sdelay $0x1  }
0x163: {  	v3 =	vperm.xlane v3, v2;
	_ =	sdelay $0x1  }
0x164: {  	v3 =	vadd.s32 v1, v3  }
0x165: {  	[tilespmem:s7], [sflag:$0x3] =	stream.indirect_vreg.gather [hbm4b:s2+s3], $0x80, v4, vm0, $0xb8;
	[tilespmem:$0x18200] =	vst v63  }
0x166: {  	_ = 	snop  }
0x167: {  	[tilespmem:s11], [sflag:$0x3] =	stream.indirect_vreg.gather [hbm4b:s4+s3], $0x80, v4, vm0, $0xb8;
	[tilespmem:$0x18200] =	vst v63  }
0x168: {  	_ = 	snop  }
0x169: {  	[tilespmem:s12], [sflag:$0x3] =	stream.indirect_vreg.gather [hbm4b:s2+s3], $0x80, v3, vm0, $0xb8;
	[tilespmem:$0x18200] =	vst v63  }
0x16a: {  	_ = 	snop  }
0x16b: {  	[tilespmem:s13], [sflag:$0x3] =	stream.indirect_vreg.gather [hbm4b:s4+s3], $0x80, v3, vm0, $0xb8;
	[tilespmem:$0x18200] =	vst v63  }
0x16c: {  	v3 =	vld [tilespmem:$0x150];
	_ =	sdelay $0x4  }
0x16d: {  	v53 =	vshll.u32 v3, $0x2  }
0x16e: {  	v3 =	vand.u32 $0x7, v3;
	v4 =	vand.u32 $0xFFFFFFE0, v53  }
0x16f: {  	v3 =	vor.u32 v3, v4  }
0x170: {  	v4 =	vperm.xlane v3, v0;
	_ =	sdelay $0x1  }
0x171: {  	v4 =	vadd.s32 v1, v4;
	_ =	sdelay $0x1  }
0x172: {  	v3 =	vperm.xlane v3, v2;
	_ =	sdelay $0x1  }
0x173: {  	v3 =	vadd.s32 v1, v3  }
0x174: {  	[tilespmem:s1], [sflag:$0x3] =	stream.indirect_vreg.gather [hbm4b:s2+s3], $0x80, v4, vm0, $0xb8;
	[tilespmem:$0x18200] =	vst v63  }
0x175: {  	_ = 	snop  }
0x176: {  	[tilespmem:s6], [sflag:$0x3] =	stream.indirect_vreg.gather [hbm4b:s4+s3], $0x80, v4, vm0, $0xb8;
	[tilespmem:$0x18200] =	vst v63  }
0x177: {  	_ = 	snop  }
0x178: {  	[tilespmem:s18], [sflag:$0x3] =	stream.indirect_vreg.gather [hbm4b:s2+s3], $0x80, v3, vm0, $0xb8;
	[tilespmem:$0x18200] =	vst v63  }
0x179: {  	_ = 	snop  }
0x17a: {  	[tilespmem:s8], [sflag:$0x3] =	stream.indirect_vreg.gather [hbm4b:s4+s3], $0x80, v3, vm0, $0xb8;
	[tilespmem:$0x18200] =	vst v63  }
0x17b: {  	v3 =	vld [tilespmem:$0x160];
	_ =	sdelay $0x4  }
0x17c: {  	v54 =	vshll.u32 v3, $0x2  }
0x17d: {  	v3 =	vand.u32 $0x7, v3;
	v4 =	vand.u32 $0xFFFFFFE0, v54  }
0x17e: {  	v3 =	vor.u32 v3, v4  }
0x17f: {  	v4 =	vperm.xlane v3, v0;
	_ =	sdelay $0x1  }
0x180: {  	v4 =	vadd.s32 v1, v4;
	_ =	sdelay $0x1  }
0x181: {  	v3 =	vperm.xlane v3, v2;
	_ =	sdelay $0x1  }
0x182: {  	v3 =	vadd.s32 v1, v3  }
0x183: {  	[tilespmem:s9], [sflag:$0x3] =	stream.indirect_vreg.gather [hbm4b:s2+s3], $0x80, v4, vm0, $0xb8;
	[tilespmem:$0x18200] =	vst v63  }
0x184: {  	_ = 	snop  }
0x185: {  	[tilespmem:s10], [sflag:$0x3] =	stream.indirect_vreg.gather [hbm4b:s4+s3], $0x80, v4, vm0, $0xb8;
	[tilespmem:$0x18200] =	vst v63  }
0x186: {  	_ = 	snop  }
0x187: {  	[tilespmem:s21], [sflag:$0x3] =	stream.indirect_vreg.gather [hbm4b:s2+s3], $0x80, v3, vm0, $0xb8;
	[tilespmem:$0x18200] =	vst v63  }
0x188: {  	_ = 	snop  }
0x189: {  	[tilespmem:s22], [sflag:$0x3] =	stream.indirect_vreg.gather [hbm4b:s4+s3], $0x80, v3, vm0, $0xb8;
	[tilespmem:$0x18200] =	vst v63  }
0x18a: {  	v3 =	vld [tilespmem:$0x170];
	_ =	sdelay $0x4  }
0x18b: {  	v55 =	vshll.u32 v3, $0x2  }
0x18c: {  	v3 =	vand.u32 $0x7, v3;
	v4 =	vand.u32 $0xFFFFFFE0, v55  }
0x18d: {  	v3 =	vor.u32 v3, v4  }
0x18e: {  	v4 =	vperm.xlane v3, v0;
	_ =	sdelay $0x1  }
0x18f: {  	v4 =	vadd.s32 v1, v4;
	_ =	sdelay $0x1  }
0x190: {  	v3 =	vperm.xlane v3, v2;
	_ =	sdelay $0x1  }
0x191: {  	v3 =	vadd.s32 v1, v3  }
0x192: {  	[tilespmem:s24], [sflag:$0x3] =	stream.indirect_vreg.gather [hbm4b:s2+s3], $0x80, v4, vm0, $0xb8;
	[tilespmem:$0x18200] =	vst v63  }
0x193: {  	_ = 	snop  }
0x194: {  	[tilespmem:s25], [sflag:$0x3] =	stream.indirect_vreg.gather [hbm4b:s4+s3], $0x80, v4, vm0, $0xb8;
	[tilespmem:$0x18200] =	vst v63  }
0x195: {  	_ = 	snop  }
0x196: {  	[tilespmem:s26], [sflag:$0x3] =	stream.indirect_vreg.gather [hbm4b:s2+s3], $0x80, v3, vm0, $0xb8;
	[tilespmem:$0x18200] =	vst v63  }
0x197: {  	_ = 	snop  }
0x198: {  	[tilespmem:s28], [sflag:$0x3] =	stream.indirect_vreg.gather [hbm4b:s4+s3], $0x80, v3, vm0, $0xb8;
	[tilespmem:$0x18200] =	vst v63  }
0x199: {  	_ =	swait.ge [sflag:s14], $0x8000  }
0x19a: {  	[sflag:s14] =	ssyncset.done $0x0  }
0x19b: {  	s1 =	rddreg [dreg:$0x8];
	[sflag:s14] =	ssyncadd.s32 $0xFFFF8000  }
0x19c: {  	[hbm4b:s1+s3] =	stream.linear.scatter [tilespmem:s23], [sflag:$0x4], $0x8000, $0x38;
	[tilespmem:$0x18200] =	vst v63  }
0x19d: {  	_ =	swait.ge [sflag:s15], $0x8000  }
0x19e: {  	[sflag:s15] =	ssyncset.done $0x0  }
0x19f: {  	[sflag:s15] =	ssyncadd.s32 $0xFFFF8000  }
0x1a0: {  	v3 =	vld [tilespmem:$0x180];
	_ =	sdelay $0x4  }
0x1a1: {  	v56 =	vshll.u32 v3, $0x2  }
0x1a2: {  	v3 =	vand.u32 $0x7, v3;
	v4 =	vand.u32 $0xFFFFFFE0, v56  }
0x1a3: {  	v3 =	vor.u32 v3, v4  }
0x1a4: {  	v4 =	vperm.xlane v3, v0;
	_ =	sdelay $0x1  }
0x1a5: {  	v4 =	vadd.s32 v1, v4;
	_ =	sdelay $0x1  }
0x1a6: {  	v3 =	vperm.xlane v3, v2;
	_ =	sdelay $0x1  }
0x1a7: {  	v3 =	vadd.s32 v1, v3  }
0x1a8: {  	[tilespmem:s23], [sflag:$0x1] =	stream.indirect_vreg.gather [hbm4b:s2+s3], $0x80, v4, vm0, $0xb8;
	[tilespmem:$0x18200] =	vst v63  }
0x1a9: {  	s20 =	simm.s32 $0xA00  }
0x1aa: {  	[tilespmem:s20], [sflag:$0x1] =	stream.indirect_vreg.gather [hbm4b:s4+s3], $0x80, v4, vm0, $0xb8;
	[tilespmem:$0x18200] =	vst v63  }
0x1ab: {  	s20 =	simm.s32 $0x1200  }
0x1ac: {  	[tilespmem:s20], [sflag:$0x1] =	stream.indirect_vreg.gather [hbm4b:s2+s3], $0x80, v3, vm0, $0xb8;
	[tilespmem:$0x18200] =	vst v63  }
0x1ad: {  	s20 =	simm.s32 $0x1A00  }
0x1ae: {  	[tilespmem:s20], [sflag:$0x1] =	stream.indirect_vreg.gather [hbm4b:s4+s3], $0x80, v3, vm0, $0xb8;
	[tilespmem:$0x18200] =	vst v63  }
0x1af: {  	v3 =	vld [tilespmem:$0x190];
	_ =	sdelay $0x4  }
0x1b0: {  	v57 =	vshll.u32 v3, $0x2  }
0x1b1: {  	v3 =	vand.u32 $0x7, v3;
	v4 =	vand.u32 $0xFFFFFFE0, v57  }
0x1b2: {  	v3 =	vor.u32 v3, v4  }
0x1b3: {  	v4 =	vperm.xlane v3, v0;
	_ =	sdelay $0x1  }
0x1b4: {  	v4 =	vadd.s32 v1, v4;
	_ =	sdelay $0x1  }
0x1b5: {  	v3 =	vperm.xlane v3, v2;
	_ =	sdelay $0x1  }
0x1b6: {  	s20 =	simm.s32 $0x2200;
	v3 =	vadd.s32 v1, v3  }
0x1b7: {  	[tilespmem:s20], [sflag:$0x1] =	stream.indirect_vreg.gather [hbm4b:s2+s3], $0x80, v4, vm0, $0xb8;
	[tilespmem:$0x18200] =	vst v63  }
0x1b8: {  	s20 =	simm.s32 $0x2A00  }
0x1b9: {  	[tilespmem:s20], [sflag:$0x1] =	stream.indirect_vreg.gather [hbm4b:s4+s3], $0x80, v4, vm0, $0xb8;
	[tilespmem:$0x18200] =	vst v63  }
0x1ba: {  	s20 =	simm.s32 $0x3200  }
0x1bb: {  	[tilespmem:s20], [sflag:$0x1] =	stream.indirect_vreg.gather [hbm4b:s2+s3], $0x80, v3, vm0, $0xb8;
	[tilespmem:$0x18200] =	vst v63  }
0x1bc: {  	s20 =	simm.s32 $0x3A00  }
0x1bd: {  	[tilespmem:s20], [sflag:$0x1] =	stream.indirect_vreg.gather [hbm4b:s4+s3], $0x80, v3, vm0, $0xb8;
	[tilespmem:$0x18200] =	vst v63  }
0x1be: {  	v3 =	vld [tilespmem:$0x1A0];
	_ =	sdelay $0x4  }
0x1bf: {  	v58 =	vshll.u32 v3, $0x2  }
0x1c0: {  	v3 =	vand.u32 $0x7, v3;
	v4 =	vand.u32 $0xFFFFFFE0, v58  }
0x1c1: {  	v3 =	vor.u32 v3, v4  }
0x1c2: {  	v4 =	vperm.xlane v3, v0;
	_ =	sdelay $0x1  }
0x1c3: {  	v4 =	vadd.s32 v1, v4;
	_ =	sdelay $0x1  }
0x1c4: {  	v3 =	vperm.xlane v3, v2;
	_ =	sdelay $0x1  }
0x1c5: {  	v3 =	vadd.s32 v1, v3  }
0x1c6: {  	[tilespmem:s30], [sflag:$0x1] =	stream.indirect_vreg.gather [hbm4b:s2+s3], $0x80, v4, vm0, $0xb8;
	[tilespmem:$0x18200] =	vst v63  }
0x1c7: {  	_ = 	snop  }
0x1c8: {  	[tilespmem:s31], [sflag:$0x1] =	stream.indirect_vreg.gather [hbm4b:s4+s3], $0x80, v4, vm0, $0xb8;
	[tilespmem:$0x18200] =	vst v63  }
0x1c9: {  	s20 =	simm.s32 $0x5200  }
0x1ca: {  	[tilespmem:s20], [sflag:$0x1] =	stream.indirect_vreg.gather [hbm4b:s2+s3], $0x80, v3, vm0, $0xb8;
	[tilespmem:$0x18200] =	vst v63  }
0x1cb: {  	s20 =	simm.s32 $0x5A00  }
0x1cc: {  	[tilespmem:s20], [sflag:$0x1] =	stream.indirect_vreg.gather [hbm4b:s4+s3], $0x80, v3, vm0, $0xb8;
	[tilespmem:$0x18200] =	vst v63  }
0x1cd: {  	v3 =	vld [tilespmem:$0x1B0];
	_ =	sdelay $0x4  }
0x1ce: {  	v59 =	vshll.u32 v3, $0x2  }
0x1cf: {  	v3 =	vand.u32 $0x7, v3;
	v4 =	vand.u32 $0xFFFFFFE0, v59  }
0x1d0: {  	v3 =	vor.u32 v3, v4  }
0x1d1: {  	v4 =	vperm.xlane v3, v0;
	_ =	sdelay $0x1  }
0x1d2: {  	v4 =	vadd.s32 v1, v4;
	_ =	sdelay $0x1  }
0x1d3: {  	v3 =	vperm.xlane v3, v2;
	_ =	sdelay $0x1  }
0x1d4: {  	s20 =	simm.s32 $0x6200;
	v3 =	vadd.s32 v1, v3  }
0x1d5: {  	[tilespmem:s20], [sflag:$0x1] =	stream.indirect_vreg.gather [hbm4b:s2+s3], $0x80, v4, vm0, $0xb8;
	[tilespmem:$0x18200] =	vst v63  }
0x1d6: {  	s20 =	simm.s32 $0x6A00  }
0x1d7: {  	[tilespmem:s20], [sflag:$0x1] =	stream.indirect_vreg.gather [hbm4b:s4+s3], $0x80, v4, vm0, $0xb8;
	[tilespmem:$0x18200] =	vst v63  }
0x1d8: {  	s20 =	simm.s32 $0x7200  }
0x1d9: {  	[tilespmem:s20], [sflag:$0x1] =	stream.indirect_vreg.gather [hbm4b:s2+s3], $0x80, v3, vm0, $0xb8;
	[tilespmem:$0x18200] =	vst v63  }
0x1da: {  	s20 =	simm.s32 $0x7A00  }
0x1db: {  	[tilespmem:s20], [sflag:$0x1] =	stream.indirect_vreg.gather [hbm4b:s4+s3], $0x80, v3, vm0, $0xb8;
	[tilespmem:$0x18200] =	vst v63  }
0x1dc: {  	_ =	swait.ge [sflag:s16], $0x8000  }
0x1dd: {  	[sflag:s16] =	ssyncset.done $0x0  }
0x1de: {  	s1 =	rddreg [dreg:$0x9];
	[sflag:s16] =	ssyncadd.s32 $0xFFFF8000  }
0x1df: {  	[hbm4b:s1+s3] =	stream.linear.scatter [tilespmem:s0], [sflag:$0x5], $0x8000, $0x38;
	[tilespmem:$0x18200] =	vst v63  }
0x1e0: {  	_ =	swait.ge [sflag:s17], $0x8000  }
0x1e1: {  	[sflag:s17] =	ssyncset.done $0x0  }
0x1e2: {  	[sflag:s17] =	ssyncadd.s32 $0xFFFF8000  }
0x1e3: {  	v3 =	vld [tilespmem:$0x1C0];
	_ =	sdelay $0x4  }
0x1e4: {  	v60 =	vshll.u32 v3, $0x2  }
0x1e5: {  	v3 =	vand.u32 $0x7, v3;
	v4 =	vand.u32 $0xFFFFFFE0, v60  }
0x1e6: {  	v3 =	vor.u32 v3, v4  }
0x1e7: {  	v4 =	vperm.xlane v3, v0;
	_ =	sdelay $0x1  }
0x1e8: {  	v4 =	vadd.s32 v1, v4;
	_ =	sdelay $0x1  }
0x1e9: {  	v3 =	vperm.xlane v3, v2;
	_ =	sdelay $0x1  }
0x1ea: {  	v3 =	vadd.s32 v1, v3  }
0x1eb: {  	[tilespmem:s0], [sflag:$0x2] =	stream.indirect_vreg.gather [hbm4b:s2+s3], $0x80, v4, vm0, $0xb8;
	[tilespmem:$0x18200] =	vst v63  }
0x1ec: {  	s20 =	simm.s32 $0x8A00  }
0x1ed: {  	[tilespmem:s20], [sflag:$0x2] =	stream.indirect_vreg.gather [hbm4b:s4+s3], $0x80, v4, vm0, $0xb8;
	[tilespmem:$0x18200] =	vst v63  }
0x1ee: {  	s20 =	simm.s32 $0x9200  }
0x1ef: {  	[tilespmem:s20], [sflag:$0x2] =	stream.indirect_vreg.gather [hbm4b:s2+s3], $0x80, v3, vm0, $0xb8;
	[tilespmem:$0x18200] =	vst v63  }
0x1f0: {  	s20 =	simm.s32 $0x9A00  }
0x1f1: {  	[tilespmem:s20], [sflag:$0x2] =	stream.indirect_vreg.gather [hbm4b:s4+s3], $0x80, v3, vm0, $0xb8;
	[tilespmem:$0x18200] =	vst v63  }
0x1f2: {  	v3 =	vld [tilespmem:$0x1D0];
	_ =	sdelay $0x4  }
0x1f3: {  	v61 =	vshll.u32 v3, $0x2  }
0x1f4: {  	v3 =	vand.u32 $0x7, v3;
	v4 =	vand.u32 $0xFFFFFFE0, v61  }
0x1f5: {  	v3 =	vor.u32 v3, v4  }
0x1f6: {  	v4 =	vperm.xlane v3, v0;
	_ =	sdelay $0x1  }
0x1f7: {  	v4 =	vadd.s32 v1, v4;
	_ =	sdelay $0x1  }
0x1f8: {  	v3 =	vperm.xlane v3, v2;
	_ =	sdelay $0x1  }
0x1f9: {  	s20 =	simm.s32 $0xA200;
	v3 =	vadd.s32 v1, v3  }
0x1fa: {  	[tilespmem:s20], [sflag:$0x2] =	stream.indirect_vreg.gather [hbm4b:s2+s3], $0x80, v4, vm0, $0xb8;
	[tilespmem:$0x18200] =	vst v63  }
0x1fb: {  	s20 =	simm.s32 $0xAA00  }
0x1fc: {  	[tilespmem:s20], [sflag:$0x2] =	stream.indirect_vreg.gather [hbm4b:s4+s3], $0x80, v4, vm0, $0xb8;
	[tilespmem:$0x18200] =	vst v63  }
0x1fd: {  	s20 =	simm.s32 $0xB200  }
0x1fe: {  	[tilespmem:s20], [sflag:$0x2] =	stream.indirect_vreg.gather [hbm4b:s2+s3], $0x80, v3, vm0, $0xb8;
	[tilespmem:$0x18200] =	vst v63  }
0x1ff: {  	s20 =	simm.s32 $0xBA00  }
0x200: {  	[tilespmem:s20], [sflag:$0x2] =	stream.indirect_vreg.gather [hbm4b:s4+s3], $0x80, v3, vm0, $0xb8;
	[tilespmem:$0x18200] =	vst v63  }
0x201: {  	v3 =	vld [tilespmem:$0x1E0];
	_ =	sdelay $0x4  }
0x202: {  	v62 =	vshll.u32 v3, $0x2  }
0x203: {  	v3 =	vand.u32 $0x7, v3;
	v4 =	vand.u32 $0xFFFFFFE0, v62  }
0x204: {  	v3 =	vor.u32 v3, v4  }
0x205: {  	v4 =	vperm.xlane v3, v0;
	_ =	sdelay $0x1  }
0x206: {  	v4 =	vadd.s32 v1, v4;
	_ =	sdelay $0x1  }
0x207: {  	v3 =	vperm.xlane v3, v2;
	_ =	sdelay $0x1  }
0x208: {  	s20 =	simm.s32 $0xC200;
	v3 =	vadd.s32 v1, v3  }
0x209: {  	[tilespmem:s20], [sflag:$0x2] =	stream.indirect_vreg.gather [hbm4b:s2+s3], $0x80, v4, vm0, $0xb8;
	[tilespmem:$0x18200] =	vst v63  }
0x20a: {  	s20 =	simm.s32 $0xCA00  }
0x20b: {  	[tilespmem:s20], [sflag:$0x2] =	stream.indirect_vreg.gather [hbm4b:s4+s3], $0x80, v4, vm0, $0xb8;
	[tilespmem:$0x18200] =	vst v63  }
0x20c: {  	s20 =	simm.s32 $0xD200  }
0x20d: {  	[tilespmem:s20], [sflag:$0x2] =	stream.indirect_vreg.gather [hbm4b:s2+s3], $0x80, v3, vm0, $0xb8;
	[tilespmem:$0x18200] =	vst v63  }
0x20e: {  	s20 =	simm.s32 $0xDA00  }
0x20f: {  	[tilespmem:s20], [sflag:$0x2] =	stream.indirect_vreg.gather [hbm4b:s4+s3], $0x80, v3, vm0, $0xb8;
	[tilespmem:$0x18200] =	vst v63  }
0x210: {  	v3 =	vld [tilespmem:$0x1F0];
	_ =	sdelay $0x4  }
0x211: {  	v63 =	vshll.u32 v3, $0x2  }
0x212: {  	v3 =	vand.u32 $0x7, v3;
	v4 =	vand.u32 $0xFFFFFFE0, v63  }
0x213: {  	v3 =	vor.u32 v3, v4  }
0x214: {  	v4 =	vperm.xlane v3, v0;
	_ =	sdelay $0x1  }
0x215: {  	v4 =	vadd.s32 v1, v4;
	_ =	sdelay $0x1  }
0x216: {  	v3 =	vperm.xlane v3, v2;
	_ =	sdelay $0x1  }
0x217: {  	s20 =	simm.s32 $0xE200;
	v3 =	vadd.s32 v1, v3  }
0x218: {  	[tilespmem:s20], [sflag:$0x2] =	stream.indirect_vreg.gather [hbm4b:s2+s3], $0x80, v4, vm0, $0xb8;
	[tilespmem:$0x18200] =	vst v63  }
0x219: {  	s20 =	simm.s32 $0xEA00  }
0x21a: {  	[tilespmem:s20], [sflag:$0x2] =	stream.indirect_vreg.gather [hbm4b:s4+s3], $0x80, v4, vm0, $0xb8;
	[tilespmem:$0x18200] =	vst v63  }
0x21b: {  	s20 =	simm.s32 $0xF200  }
0x21c: {  	[tilespmem:s20], [sflag:$0x2] =	stream.indirect_vreg.gather [hbm4b:s2+s3], $0x80, v3, vm0, $0xb8;
	[tilespmem:$0x18200] =	vst v63  }
0x21d: {  	s20 =	simm.s32 $0xFA00  }
0x21e: {  	[tilespmem:s20], [sflag:$0x2] =	stream.indirect_vreg.gather [hbm4b:s4+s3], $0x80, v3, vm0, $0xb8;
	[tilespmem:$0x18200] =	vst v63  }
0x21f: {  	_ =	swait.ge [sflag:s29], $0x8000  }
0x220: {  	[sflag:s29] =	ssyncset.done $0x0  }
0x221: {  	s1 =	rddreg [dreg:$0xa];
	[sflag:s29] =	ssyncadd.s32 $0xFFFF8000  }
0x222: {  	[hbm4b:s1+s3] =	stream.linear.scatter [tilespmem:s7], [sflag:$0x6], $0x8000, $0x38;
	[tilespmem:$0x18200] =	vst v63  }
0x223: {  	_ =	swait.ge [sflag:s14], $0x8000  }
0x224: {  	[sflag:s14] =	ssyncset.done $0x0  }
0x225: {  	s1 =	rddreg [dreg:$0xb];
	[sflag:s14] =	ssyncadd.s32 $0xFFFF8000  }
0x226: {  	[hbm4b:s1+s3] =	stream.linear.scatter [tilespmem:s23], [sflag:$0x4], $0x8000, $0x38;
	[tilespmem:$0x18200] =	vst v63  }
0x227: {  	_ =	swait.ge [sflag:s16], $0x8000  }
0x228: {  	[sflag:s16] =	ssyncset.done $0x0  }
0x229: {  	s1 =	rddreg [dreg:$0xc];
	[sflag:s16] =	ssyncadd.s32 $0xFFFF8000  }
0x22a: {  	[hbm4b:s1+s3] =	stream.linear.scatter [tilespmem:s0], [sflag:$0x5], $0x8000, $0x38;
	[tilespmem:$0x18200] =	vst v63  }
0x22b: {  	_ =	swait.ge [sflag:s19], $0x8000  }
0x22c: {  	[sflag:s19] =	ssyncset.done $0x0  }
0x22d: {  	[sflag:s19] =	ssyncadd.s32 $0xFFFF8000  }
0x22e: {  	p0 =	sne.s32 s5, $0x1;
	_ =	swait.ge [sflag:s15], $0x8000  }
.Ltmp0:
0x22f: {  	[sflag:s15] =	ssyncset.done $0x0;
	(pc) =	sbr.rel @p0 .LBB2_1-.Ltmp0, $4  }
0x230: {  	[sflag:s15] =	ssyncadd.s32 $0xFFFF8000  }
0x231: {  	_ =	swait.ge [sflag:s17], $0x8000  }
0x232: {  	[sflag:s17] =	ssyncset.done $0x0  }
0x233: {  	s5 =	sadd.s32 $0xFFFFFFFF, s5;
	[sflag:s17] =	ssyncadd.s32 $0xFFFF8000  }
0x234: {  	_ =	sfence.sel $0x180000  }
0x235: {  	[bflag:$0x0] =	sbarrier.arrive $0xFFFF  }
0x236: {  	_ =	strace $0x90000047  }
0x237: {  	s0 =	stileid.u32;
	[bflag:$0x2] =	sbarrier.arrive $0xFFFF  }
0x238: {  	p0 =	sne.s32 s0, $0x0;
	s0 =	rddreg [dreg:$0x3]  }
0x239: {  	s0 =	sadd.s32 @!p0 $0x100000, s0  }
0x23a: {  	[sflag:s0] =	ssyncadd.tile.s32 @!p0 $0x1;
	_ =	shalt  }
.Lfunc_end2:
_tile_overlayer_lowered:
.L_overlay_start_2:
0x23b: {  	(tag) =	ssettag $0x2  }
0x23c: {  	s0 =	rddreg [dreg:$0x0];
	s2 =	stileid.u32  }
0x23d: {  	s1 =	rddreg [dreg:$0x1];
	p0 =	sne.s32 s2, $0x0  }
0x23e: {  	s3 =	rddreg [dreg:$0x2];
	[bflag:$0x3] =	sbarrier.arrive $0xFFFF;
	s2 =	simm.s32 @!p0 $0x1C07  }
0x23f: {  	[timem:s3], [sflag:s2] =	dma.local @!p0 [hbm:s0], s1  }
0x240: {  	s0 =	simm.s32 @!p0 $0x7  }
0x241: {  	_ =	swait.ge @!p0 [sflag:s0], s1  }
0x242: {  	s1 =	ssub.s32 @!p0 $0x0, s1;
	[sflag:s0] =	ssyncset.done @!p0 $0x0  }
0x243: {  	[sflag:s0] =	ssyncadd.s32 @!p0 s1  }
0x244: {  	[bflag:$0x3] =	sbarrier.arrive $0xFFFF  }
0x245: {  	_ =	shalt  }

</sc_bundles>
